<compile_context>
chip_gen: v7x
topology: tpu7x:2x2x1
jax: 0.10.2.dev20260603
libtpu: 0.0.44.dev20260713+nightly
codegen_flags: <defaults>
</compile_context>

<pallas_src>
import functools

import jax
import jax.numpy as jnp
from jax import lax
from jax.experimental import pallas as pl
from jax.experimental.pallas import tpu as pltpu
from jax.experimental.pallas import tpu_sc as plsc

E = 8
D = 768
F = 3072
N = 4096
T = 256
G = N // T + E
P = G * T
GP = 128
CH = 512
NCH = N // CH

NXT_OFF = 64

NC = 2
NS = 16
NW = NC * NS
TPW = N // NW



def _routing_body(feats_ref, cent_ref, dest_ref, te_ref, oh_ref, prefix_ref):
    feats = feats_ref[...]
    cent = cent_ref[...]
    scores = lax.dot_general(
        feats, cent, (((1,), (1,)), ((), ())),
        preferred_element_type=jnp.float32)

    iota_e = lax.broadcasted_iota(jnp.int32, (N, E), 1)
    mx = jnp.max(scores, axis=1, keepdims=True)
    te = jnp.min(jnp.where(scores == mx, iota_e, E), axis=1, keepdims=True)
    oh_ref[...] = (te == iota_e).astype(jnp.float32)

    r = lax.broadcasted_iota(jnp.int32, (CH, CH), 0)
    c = lax.broadcasted_iota(jnp.int32, (CH, CH), 1)
    ltri = (c < r).astype(jnp.float32)

    def step(i, carry):
        chunk = oh_ref[pl.ds(i * CH, CH), :]
        prefix_ref[pl.ds(i * CH, CH), :] = carry + lax.dot_general(
            ltri, chunk, (((1,), (0,)), ((), ())),
            preferred_element_type=jnp.float32)
        return carry + jnp.sum(chunk, axis=0, keepdims=True)

    counts_f = lax.fori_loop(0, NCH, step, jnp.zeros((1, E), jnp.float32))
    counts = counts_f.astype(jnp.int32)
    pc = ((counts + (T - 1)) // T) * T

    rr = lax.broadcasted_iota(jnp.int32, (E, E), 0)
    cc = lax.broadcasted_iota(jnp.int32, (E, E), 1)
    utri = (rr < cc).astype(jnp.float32)
    off_f = lax.dot_general(pc.astype(jnp.float32), utri,
                            (((1,), (0,)), ((), ())),
                            preferred_element_type=jnp.float32)
    off_i = off_f.astype(jnp.int32)

    def step2(i, _):
        pre = prefix_ref[pl.ds(i * CH, CH), :]
        ohc = oh_ref[pl.ds(i * CH, CH), :]
        d = jnp.sum((off_f + pre) * ohc, axis=1, keepdims=True)
        dest_ref[pl.ds(i * (CH // 128), CH // 128), :] = (
            d.astype(jnp.int32).reshape(CH // 128, 128))
        return 0

    lax.fori_loop(0, NCH, step2, 0)

    tgrid = lax.broadcasted_iota(jnp.int32, (GP, 1), 0)
    tg2 = tgrid - NXT_OFF
    cc1 = lax.broadcasted_iota(jnp.int32, (1, E), 1)
    tex = jnp.zeros((GP, 1), jnp.int32)
    for e in range(E):
        s_e = lax.slice(off_i, (0, e), (1, e + 1)) // T
        n_e = lax.slice(pc, (0, e), (1, e + 1)) // T
        mask = (tgrid >= s_e) & (tgrid < s_e + n_e)
        tex = tex + e * mask.astype(jnp.int32)
        cand = jnp.where((cc1 > e) & (pc > 0), cc1, E)
        ne = jnp.min(cand, axis=1, keepdims=True)
        ne = jnp.where(ne == E, e, ne)
        mask2 = (tg2 >= s_e) & (tg2 < s_e + n_e)
        tex = tex + ne * mask2.astype(jnp.int32)
    un = jnp.sum(pc, axis=1, keepdims=True) // T
    tex = tex + (E - 1) * ((tgrid >= un) & (tgrid < G)).astype(jnp.int32)
    tex = tex + (tgrid == G).astype(jnp.int32) * un
    te_ref[...] = tex


def _routing(feats, cent):
    dest, te_tiles = pl.pallas_call(
        _routing_body,
        out_shape=[
            jax.ShapeDtypeStruct((N // 128, 128), jnp.int32),
            jax.ShapeDtypeStruct((GP, 1), jnp.int32),
        ],
        scratch_shapes=[
            pltpu.VMEM((N, E), jnp.float32),
            pltpu.VMEM((N, E), jnp.float32),
        ],
    )(feats, cent)
    return dest.reshape(N), te_tiles.reshape(GP)



@functools.cache
def _sc_kernels():
    mesh = plsc.VectorSubcoreMesh(
        core_axis_name="c", subcore_axis_name="s",
        num_cores=NC, num_subcores=NS)
    scratch = [
        pltpu.VMEM((TPW,), jnp.int32),
        pltpu.VMEM((TPW, D), jnp.float32),
        pltpu.SemaphoreType.DMA,
    ]

    @functools.partial(
        pl.kernel,
        out_type=jax.ShapeDtypeStruct((P, D), jnp.float32),
        mesh=mesh, scratch_types=scratch)
    def scatter_k(feats_hbm, dest_hbm, out_hbm, idx_v, rows_v, sem):
        wid = lax.axis_index("s") * NC + lax.axis_index("c")
        base = wid * TPW
        pltpu.sync_copy(dest_hbm.at[pl.ds(base, TPW)], idx_v)
        pltpu.sync_copy(feats_hbm.at[pl.ds(base, TPW)], rows_v)
        pltpu.async_copy(rows_v, out_hbm.at[idx_v], sem).wait()

    @functools.partial(
        pl.kernel,
        out_type=jax.ShapeDtypeStruct((N, D), jnp.float32),
        mesh=mesh, scratch_types=scratch)
    def gather_k(sorted_hbm, dest_hbm, out_hbm, idx_v, rows_v, sem):
        wid = lax.axis_index("s") * NC + lax.axis_index("c")
        base = wid * TPW
        pltpu.sync_copy(dest_hbm.at[pl.ds(base, TPW)], idx_v)
        pltpu.async_copy(sorted_hbm.at[idx_v], rows_v, sem).wait()
        pltpu.sync_copy(rows_v, out_hbm.at[pl.ds(base, TPW)])

    return scatter_k, gather_k



def _ffn_body(s_ref, xb_ref, cent_ref, lng_ref, lnb_ref,
              w1_ref, b1_ref, w2_ref, b2_ref, out_ref,
              w1s_ref, w2s_ref, w1b_ref, w2b_ref, sem):
    t = pl.program_id(0)
    nu = s_ref[G]
    e_now = s_ref[t]
    e_prev = s_ref[jnp.maximum(t - 1, 0)]
    change = (t == 0) | (e_now != e_prev)

    def w_copies(e):
        return (pltpu.make_async_copy(w1_ref.at[e], w1s_ref, sem),
                pltpu.make_async_copy(w2_ref.at[e], w2s_ref, sem))

    @pl.when(t == 0)
    def _():
        c1, c2 = w_copies(e_now)
        c1.start()
        c2.start()

    @pl.when((t < nu) & change)
    def _():
        c1, c2 = w_copies(e_now)
        c1.wait()
        c2.wait()
        w1b_ref[...] = w1s_ref[...].astype(jnp.bfloat16)
        w2b_ref[...] = w2s_ref[...].astype(jnp.bfloat16)
        e_nxt = s_ref[NXT_OFF + t]

        @pl.when(e_nxt != e_now)
        def _():
            n1, n2 = w_copies(e_nxt)
            n1.start()
            n2.start()

    @pl.when(t < nu)
    def _run():
        xb = xb_ref[...]
        cb = cent_ref[0]
        score = jnp.sum(xb * cb, axis=1, keepdims=True)
        alpha = 1.0 / (1.0 + jnp.exp(-score))

        m = jnp.mean(xb, axis=1, keepdims=True)
        v = jnp.mean(xb * xb, axis=1, keepdims=True) - m * m
        h = (xb - m) / jnp.sqrt(v + 1e-5) * lng_ref[0] + lnb_ref[0]

        h1 = lax.dot_general(h.astype(jnp.bfloat16), w1b_ref[...],
                             (((1,), (1,)), ((), ())),
                             preferred_element_type=jnp.float32) + b1_ref[0]
        h1 = jnp.maximum(h1, 0.0)
        ffn = lax.dot_general(h1.astype(jnp.bfloat16), w2b_ref[...],
                              (((1,), (1,)), ((), ())),
                              preferred_element_type=jnp.float32) + b2_ref[0]
        out_ref[...] = xb + alpha * ffn


def _ffn(sorted_x, te_tiles, cent, ln_g, ln_b, w1, b1, w2, b2):
    grid_spec = pltpu.PrefetchScalarGridSpec(
        num_scalar_prefetch=1,
        grid=(G,),
        in_specs=[
            pl.BlockSpec((T, D), lambda t, s: (jnp.minimum(t, s[G] - 1), 0)),
            pl.BlockSpec((1, 1, D), lambda t, s: (s[t], 0, 0)),
            pl.BlockSpec((1, 1, D), lambda t, s: (s[t], 0, 0)),
            pl.BlockSpec((1, 1, D), lambda t, s: (s[t], 0, 0)),
            pl.BlockSpec(memory_space=pltpu.MemorySpace.HBM),
            pl.BlockSpec((1, 1, F), lambda t, s: (s[t], 0, 0)),
            pl.BlockSpec(memory_space=pltpu.MemorySpace.HBM),
            pl.BlockSpec((1, 1, D), lambda t, s: (s[t], 0, 0)),
        ],
        out_specs=pl.BlockSpec(
            (T, D), lambda t, s: (jnp.minimum(t, s[G] - 1), 0)),
        scratch_shapes=[
            pltpu.VMEM((F, D), jnp.float32),
            pltpu.VMEM((D, F), jnp.float32),
            pltpu.VMEM((F, D), jnp.bfloat16),
            pltpu.VMEM((D, F), jnp.bfloat16),
            pltpu.SemaphoreType.DMA,
        ],
    )
    return pl.pallas_call(
        _ffn_body,
        grid_spec=grid_spec,
        out_shape=jax.ShapeDtypeStruct((P, D), jnp.float32),
        compiler_params=pltpu.CompilerParams(
            vmem_limit_bytes=100 * 1024 * 1024),
    )(te_tiles, sorted_x,
      cent.reshape(E, 1, D), ln_g.reshape(E, 1, D), ln_b.reshape(E, 1, D),
      w1, b1.reshape(E, 1, F), w2, b2.reshape(E, 1, D))


def kernel(x, expert_centroids, ln_g, ln_b, w1, b1, w2, b2):
    feats = x.reshape(-1, D)
    scatter_k, gather_k = _sc_kernels()
    dest, te_tiles = _routing(feats, expert_centroids)
    sorted_x = scatter_k(feats, dest)
    sorted_out = _ffn(sorted_x, te_tiles, expert_centroids,
                      ln_g, ln_b, w1, b1, w2, b2)
    out = gather_k(sorted_out, dest)
    return out.reshape(x.shape)

# --- scband reference (transcript-rebuilt; emitter-appended) ---
"""Pipeline reference for scband-base-layer-13967233647354 (READ-ONLY COPY).

The authoritative reference and input builder live on the scoring server;
editing this copy changes nothing except your own understanding.
"""

import jax, jax.numpy as jnp
import numpy as np

E = 8
D = 768
F = 3072

def layer_norm(x, g, b, eps=1e-5):
    m = jnp.mean(x, axis=-1, keepdims=True)
    v = jnp.var(x, axis=-1, keepdims=True)
    return (x - m) / jnp.sqrt(v + eps) * g + b

def setup_inputs(seed: int = 0):
    key = jax.random.key(seed)
    ks = [jax.random.fold_in(key, i) for i in range(8)]
    x = jax.random.normal(ks[0], (2, 2048, D), dtype=jnp.float32)
    expert_centroids = 0.1 * jax.random.normal(ks[1], (E, D), dtype=jnp.float32)
    ln_g = 1.0 + 0.02 * jax.random.normal(ks[2], (E, D), dtype=jnp.float32)
    ln_b = 0.02 * jax.random.normal(ks[3], (E, D), dtype=jnp.float32)
    w1 = 0.02 * jax.random.normal(ks[4], (E, F, D), dtype=jnp.float32)
    b1 = jnp.zeros((E, F), dtype=jnp.float32)
    w2 = 0.02 * jax.random.normal(ks[5], (E, D, F), dtype=jnp.float32)
    b2 = jnp.zeros((E, D), dtype=jnp.float32)
    return {"x": x, "expert_centroids": expert_centroids, "ln_g": ln_g, "ln_b": ln_b, "w1": w1, "b1": b1, "w2": w2, "b2": b2}

def reference(x, expert_centroids, ln_g, ln_b, w1, b1, w2, b2):
    # Single-worker BaseLayer: all_to_all is identity; inference path -> greedy_assignment (top-1)
    Dm = x.shape[-1]
    Ee = expert_centroids.shape[0]
    feats = x.reshape(-1, Dm)
    # token-expert affinities computed under no_grad in the original
    scores = feats @ expert_centroids.T
    token_to_expert = jnp.argmax(scores, axis=1)
    result = jnp.zeros_like(feats)
    for e in range(Ee):
        alpha = jax.nn.sigmoid(feats @ expert_centroids[e])[:, None]
        h = layer_norm(feats, ln_g[e], ln_b[e])
        h = jax.nn.relu(h @ w1[e].T + b1[e])
        sub = feats + h @ w2[e].T + b2[e]
        out_e = alpha * sub + (1.0 - alpha) * feats
        result = jnp.where((token_to_expert == e)[:, None], out_e, result)
    return result.reshape(x.shape)

if __name__ == "__main__":
    import jax
    _d = setup_inputs()
    print(jax.jit(kernel)(*tuple(_d.values())))

</pallas_src>

<mosaic_0001>
#map = affine_map<(d0, d1) -> (0, 0)>
#map1 = affine_map<(d0, d1) -> (0)>
module attributes {stable_mosaic.version = 14 : i64} {
  func.func @scatter_k(%arg0: i32, %arg1: i32, %arg2: memref<4096x768xf32, #tpu.memory_space<hbm>>, %arg3: memref<4096xi32, #tpu.memory_space<hbm>>, %arg4: memref<6144x768xf32, #tpu.memory_space<hbm>>, %arg5: memref<128xi32, #tpu.memory_space<vmem>>, %arg6: memref<128x768xf32, #tpu.memory_space<vmem>>, %arg7: memref<!tpu.dma_semaphore, #tpu.memory_space<semaphore_mem>>) attributes {dimension_semantics = [#tpu.dimension_semantics<core_parallel>, #tpu.dimension_semantics<subcore_parallel>], iteration_bounds = array<i64: 2, 16>, scalar_prefetch = 0 : i64, scratch_operands = 3 : i64, tpu.core_type = #tpu.core_type<sc_vector_subcore>, window_params = [{transform_indices = #map}, {transform_indices = #map1}, {transform_indices = #map}]} {
    %mul3A = arith.constant 2 : i32
    %mul3A_0 = arith.muli %arg1, %mul3A : i32
    %add3A = arith.addi %mul3A_0, %arg0 : i32
    %mul3A_1 = arith.constant 128 : i32
    %mul3A_2 = arith.muli %add3A, %mul3A_1 : i32
    "tpu.region"() ({
      %run_scoped3A = tpu.sem_alloc : memref<!tpu.dma_semaphore, #tpu.memory_space<semaphore_mem>>
      %dma_start3A_7 = tpu.memref_slice %arg3[%mul3A_2] : memref<4096xi32, #tpu.memory_space<hbm>> -> memref<128xi32, #tpu.memory_space<hbm>>
      %dma_start3A_8 = tpu.memref_slice %arg3[%mul3A_2] : memref<4096xi32, #tpu.memory_space<hbm>> -> memref<128xi32, #tpu.memory_space<hbm>>
      tpu.enqueue_dma source(%dma_start3A_8 : memref<128xi32, #tpu.memory_space<hbm>>) target(%arg5 : memref<128xi32, #tpu.memory_space<vmem>>) target_semaphore(%run_scoped3A : memref<!tpu.dma_semaphore, #tpu.memory_space<semaphore_mem>>)
      %dma_wait3A_9 = tpu.memref_slice %arg3[%mul3A_2] : memref<4096xi32, #tpu.memory_space<hbm>> -> memref<128xi32, #tpu.memory_space<hbm>>
      %dma_wait3A_10 = tpu.memref_slice %arg3[%mul3A_2] : memref<4096xi32, #tpu.memory_space<hbm>> -> memref<128xi32, #tpu.memory_space<hbm>>
      tpu.wait_dma2 semaphore(%run_scoped3A : memref<!tpu.dma_semaphore, #tpu.memory_space<semaphore_mem>>) src(%dma_wait3A_10 : memref<128xi32, #tpu.memory_space<hbm>>) dst(%arg5 : memref<128xi32, #tpu.memory_space<vmem>>)
      tpu.yield
    }) : () -> ()
    "tpu.region"() ({
      %run_scoped3A = tpu.sem_alloc : memref<!tpu.dma_semaphore, #tpu.memory_space<semaphore_mem>>
      %dma_start3A_7 = arith.constant 0 : i32
      %dma_start3A_8 = tpu.memref_slice %arg2[%mul3A_2, %dma_start3A_7] : memref<4096x768xf32, #tpu.memory_space<hbm>> -> memref<128x768xf32, #tpu.memory_space<hbm>>
      %dma_start3A_9 = arith.constant 0 : i32
      %dma_start3A_10 = tpu.memref_slice %arg2[%mul3A_2, %dma_start3A_9] : memref<4096x768xf32, #tpu.memory_space<hbm>> -> memref<128x768xf32, #tpu.memory_space<hbm>>
      tpu.enqueue_dma source(%dma_start3A_10 : memref<128x768xf32, #tpu.memory_space<hbm>>) target(%arg6 : memref<128x768xf32, #tpu.memory_space<vmem>>) target_semaphore(%run_scoped3A : memref<!tpu.dma_semaphore, #tpu.memory_space<semaphore_mem>>)
      %dma_wait3A_11 = arith.constant 0 : i32
      %dma_wait3A_12 = tpu.memref_slice %arg2[%mul3A_2, %dma_wait3A_11] : memref<4096x768xf32, #tpu.memory_space<hbm>> -> memref<128x768xf32, #tpu.memory_space<hbm>>
      %dma_wait3A_13 = arith.constant 0 : i32
      %dma_wait3A_14 = tpu.memref_slice %arg2[%mul3A_2, %dma_wait3A_13] : memref<4096x768xf32, #tpu.memory_space<hbm>> -> memref<128x768xf32, #tpu.memory_space<hbm>>
      tpu.wait_dma2 semaphore(%run_scoped3A : memref<!tpu.dma_semaphore, #tpu.memory_space<semaphore_mem>>) src(%dma_wait3A_14 : memref<128x768xf32, #tpu.memory_space<hbm>>) dst(%arg6 : memref<128x768xf32, #tpu.memory_space<vmem>>)
      tpu.yield
    }) : () -> ()
    %dma_start3A = arith.constant 0 : i32
    %dma_start3A_3 = arith.constant 0 : i32
    %dma_start3A_4 = tpu.memref_slice %arg4[%dma_start3A, %dma_start3A_3] : memref<6144x768xf32, #tpu.memory_space<hbm>> -> memref<6144x768xf32, #tpu.memory_space<hbm>>
    tpu.enqueue_indirect_dma source(%arg6 : memref<128x768xf32, #tpu.memory_space<vmem>>) target(%dma_start3A_4 : memref<6144x768xf32, #tpu.memory_space<hbm>>) offsets(%arg5 : memref<128xi32, #tpu.memory_space<vmem>>) semaphore(%arg7 : memref<!tpu.dma_semaphore, #tpu.memory_space<semaphore_mem>>)
    %dma_wait3A = arith.constant 0 : i32
    %dma_wait3A_5 = arith.constant 0 : i32
    %dma_wait3A_6 = tpu.memref_slice %arg4[%dma_wait3A, %dma_wait3A_5] : memref<6144x768xf32, #tpu.memory_space<hbm>> -> memref<6144x768xf32, #tpu.memory_space<hbm>>
    tpu.wait_indirect_dma semaphore(%arg7 : memref<!tpu.dma_semaphore, #tpu.memory_space<semaphore_mem>>) src(%arg6 : memref<128x768xf32, #tpu.memory_space<vmem>>) dst(%dma_wait3A_6 : memref<6144x768xf32, #tpu.memory_space<hbm>>)
    return
  }
}

#map = affine_map<(d0, d1) -> (0, 0)>
#map1 = affine_map<(d0, d1) -> (0)>
module attributes {stable_mosaic.version = 14 : i64} {
  func.func @gather_k(%arg0: i32, %arg1: i32, %arg2: memref<6144x768xf32, #tpu.memory_space<hbm>>, %arg3: memref<4096xi32, #tpu.memory_space<hbm>>, %arg4: memref<4096x768xf32, #tpu.memory_space<hbm>>, %arg5: memref<128xi32, #tpu.memory_space<vmem>>, %arg6: memref<128x768xf32, #tpu.memory_space<vmem>>, %arg7: memref<!tpu.dma_semaphore, #tpu.memory_space<semaphore_mem>>) attributes {dimension_semantics = [#tpu.dimension_semantics<core_parallel>, #tpu.dimension_semantics<subcore_parallel>], iteration_bounds = array<i64: 2, 16>, scalar_prefetch = 0 : i64, scratch_operands = 3 : i64, tpu.core_type = #tpu.core_type<sc_vector_subcore>, window_params = [{transform_indices = #map}, {transform_indices = #map1}, {transform_indices = #map}]} {
    %mul3A = arith.constant 2 : i32
    %mul3A_0 = arith.muli %arg1, %mul3A : i32
    %add3A = arith.addi %mul3A_0, %arg0 : i32
    %mul3A_1 = arith.constant 128 : i32
    %mul3A_2 = arith.muli %add3A, %mul3A_1 : i32
    "tpu.region"() ({
      %run_scoped3A = tpu.sem_alloc : memref<!tpu.dma_semaphore, #tpu.memory_space<semaphore_mem>>
      %dma_start3A_7 = tpu.memref_slice %arg3[%mul3A_2] : memref<4096xi32, #tpu.memory_space<hbm>> -> memref<128xi32, #tpu.memory_space<hbm>>
      %dma_start3A_8 = tpu.memref_slice %arg3[%mul3A_2] : memref<4096xi32, #tpu.memory_space<hbm>> -> memref<128xi32, #tpu.memory_space<hbm>>
      tpu.enqueue_dma source(%dma_start3A_8 : memref<128xi32, #tpu.memory_space<hbm>>) target(%arg5 : memref<128xi32, #tpu.memory_space<vmem>>) target_semaphore(%run_scoped3A : memref<!tpu.dma_semaphore, #tpu.memory_space<semaphore_mem>>)
      %dma_wait3A_9 = tpu.memref_slice %arg3[%mul3A_2] : memref<4096xi32, #tpu.memory_space<hbm>> -> memref<128xi32, #tpu.memory_space<hbm>>
      %dma_wait3A_10 = tpu.memref_slice %arg3[%mul3A_2] : memref<4096xi32, #tpu.memory_space<hbm>> -> memref<128xi32, #tpu.memory_space<hbm>>
      tpu.wait_dma2 semaphore(%run_scoped3A : memref<!tpu.dma_semaphore, #tpu.memory_space<semaphore_mem>>) src(%dma_wait3A_10 : memref<128xi32, #tpu.memory_space<hbm>>) dst(%arg5 : memref<128xi32, #tpu.memory_space<vmem>>)
      tpu.yield
    }) : () -> ()
    %dma_start3A = arith.constant 0 : i32
    %dma_start3A_3 = arith.constant 0 : i32
    %dma_start3A_4 = tpu.memref_slice %arg2[%dma_start3A, %dma_start3A_3] : memref<6144x768xf32, #tpu.memory_space<hbm>> -> memref<6144x768xf32, #tpu.memory_space<hbm>>
    tpu.enqueue_indirect_dma source(%dma_start3A_4 : memref<6144x768xf32, #tpu.memory_space<hbm>>) target(%arg6 : memref<128x768xf32, #tpu.memory_space<vmem>>) offsets(%arg5 : memref<128xi32, #tpu.memory_space<vmem>>) semaphore(%arg7 : memref<!tpu.dma_semaphore, #tpu.memory_space<semaphore_mem>>)
    %dma_wait3A = arith.constant 0 : i32
    %dma_wait3A_5 = arith.constant 0 : i32
    %dma_wait3A_6 = tpu.memref_slice %arg2[%dma_wait3A, %dma_wait3A_5] : memref<6144x768xf32, #tpu.memory_space<hbm>> -> memref<6144x768xf32, #tpu.memory_space<hbm>>
    tpu.wait_indirect_dma semaphore(%arg7 : memref<!tpu.dma_semaphore, #tpu.memory_space<semaphore_mem>>) src(%dma_wait3A_6 : memref<6144x768xf32, #tpu.memory_space<hbm>>) dst(%arg6 : memref<128x768xf32, #tpu.memory_space<vmem>>)
    "tpu.region"() ({
      %run_scoped3A = tpu.sem_alloc : memref<!tpu.dma_semaphore, #tpu.memory_space<semaphore_mem>>
      %dma_start3A_7 = arith.constant 0 : i32
      %dma_start3A_8 = tpu.memref_slice %arg4[%mul3A_2, %dma_start3A_7] : memref<4096x768xf32, #tpu.memory_space<hbm>> -> memref<128x768xf32, #tpu.memory_space<hbm>>
      %dma_start3A_9 = arith.constant 0 : i32
      %dma_start3A_10 = tpu.memref_slice %arg4[%mul3A_2, %dma_start3A_9] : memref<4096x768xf32, #tpu.memory_space<hbm>> -> memref<128x768xf32, #tpu.memory_space<hbm>>
      tpu.enqueue_dma source(%arg6 : memref<128x768xf32, #tpu.memory_space<vmem>>) target(%dma_start3A_10 : memref<128x768xf32, #tpu.memory_space<hbm>>) target_semaphore(%run_scoped3A : memref<!tpu.dma_semaphore, #tpu.memory_space<semaphore_mem>>)
      %dma_wait3A_11 = arith.constant 0 : i32
      %dma_wait3A_12 = tpu.memref_slice %arg4[%mul3A_2, %dma_wait3A_11] : memref<4096x768xf32, #tpu.memory_space<hbm>> -> memref<128x768xf32, #tpu.memory_space<hbm>>
      %dma_wait3A_13 = arith.constant 0 : i32
      %dma_wait3A_14 = tpu.memref_slice %arg4[%mul3A_2, %dma_wait3A_13] : memref<4096x768xf32, #tpu.memory_space<hbm>> -> memref<128x768xf32, #tpu.memory_space<hbm>>
      tpu.wait_dma2 semaphore(%run_scoped3A : memref<!tpu.dma_semaphore, #tpu.memory_space<semaphore_mem>>) src(%arg6 : memref<128x768xf32, #tpu.memory_space<vmem>>) dst(%dma_wait3A_14 : memref<128x768xf32, #tpu.memory_space<hbm>>)
      tpu.yield
    }) : () -> ()
    return
  }
}

module attributes {stable_mosaic.version = 14 : i64} {
  func.func @_routing_body(%arg0: memref<4096x768xf32, #tpu.memory_space<vmem>>, %arg1: memref<8x768xf32, #tpu.memory_space<vmem>>, %arg2: memref<32x128xi32, #tpu.memory_space<vmem>>, %arg3: memref<128x1xi32, #tpu.memory_space<vmem>>, %arg4: memref<4096x8xf32, #tpu.memory_space<vmem>>, %arg5: memref<4096x8xf32, #tpu.memory_space<vmem>>) attributes {dimension_semantics = [], scalar_prefetch = 0 : i64, scratch_operands = 2 : i64, tpu.core_type = #tpu.core_type<tc>} {
    %get3A = arith.constant 0 : index
    %get3A_0 = arith.constant 0 : index
    %get3A_1 = vector.load %arg0[%get3A, %get3A_0] : memref<4096x768xf32, #tpu.memory_space<vmem>>, vector<4096x768xf32>
    %get3A_2 = arith.constant 0 : index
    %get3A_3 = arith.constant 0 : index
    %get3A_4 = vector.load %arg1[%get3A_2, %get3A_3] : memref<8x768xf32, #tpu.memory_space<vmem>>, vector<8x768xf32>
    %dot_general3A = arith.constant dense<0.000000e+00> : vector<4096x8xf32>
    %dot_general3A_5 = tpu.matmul %get3A_1, %get3A_4, %dot_general3A {dimension_numbers = #tpu.dot_dimension_numbers<[1], [1], [0], [0], [0, 0, 1, 0], [], []>, transpose_lhs_hint = false} : vector<4096x768xf32>, vector<8x768xf32>, vector<4096x8xf32> -> vector<4096x8xf32>
    %iota3A = tpu.iota {dimensions = array<i32: 1>} : vector<4096x8xi32>
    %reduce_max3A = arith.constant dense<0xFF800000> : vector<4096xf32>
    %reduce_max3A_6 = vector.multi_reduction <maximumf>, %dot_general3A_5, %reduce_max3A [1] : vector<4096x8xf32> to vector<4096xf32>
    %broadcast_in_dim3A = vector.shape_cast %reduce_max3A_6 : vector<4096xf32> to vector<4096x1xf32>
    %eq3A = vector.broadcast %broadcast_in_dim3A : vector<4096x1xf32> to vector<4096x8xf32>
    %eq3A_7 = arith.cmpf oeq, %dot_general3A_5, %eq3A : vector<4096x8xf32>
    %jit3A = arith.constant 8 : i32
    %broadcast_in_dim3A_8 = vector.broadcast %jit3A : i32 to vector<4096x8xi32>
    %select_n3A = arith.select %eq3A_7, %iota3A, %broadcast_in_dim3A_8 : vector<4096x8xi1>, vector<4096x8xi32>
    %reduce_min3A = arith.constant dense<2147483647> : vector<4096xi32>
    %reduce_min3A_9 = vector.multi_reduction <minsi>, %select_n3A, %reduce_min3A [1] : vector<4096x8xi32> to vector<4096xi32>
    %broadcast_in_dim3A_10 = vector.shape_cast %reduce_min3A_9 : vector<4096xi32> to vector<4096x1xi32>
    %eq3A_11 = vector.broadcast %broadcast_in_dim3A_10 : vector<4096x1xi32> to vector<4096x8xi32>
    %eq3A_12 = arith.cmpi eq, %eq3A_11, %iota3A : vector<4096x8xi32>
    %convert_element_type3A = arith.extui %eq3A_12 : vector<4096x8xi1> to vector<4096x8xi32>
    %convert_element_type3A_13 = arith.sitofp %convert_element_type3A : vector<4096x8xi32> to vector<4096x8xf32>
    %swap3A = arith.constant 0 : index
    %swap3A_14 = arith.constant 0 : index
    %swap3A_15 = vector.load %arg4[%swap3A, %swap3A_14] : memref<4096x8xf32, #tpu.memory_space<vmem>>, vector<4096x8xf32>
    tpu.vector_store %arg4[%swap3A, %swap3A_14], %convert_element_type3A_13 {strides = array<i32>} : memref<4096x8xf32, #tpu.memory_space<vmem>>, vector<4096x8xf32>,
    %iota3A_16 = tpu.iota {dimensions = array<i32: 0>} : vector<512x512xi32>
    %iota3A_17 = tpu.iota {dimensions = array<i32: 1>} : vector<512x512xi32>
    %lt3A = arith.cmpi slt, %iota3A_17, %iota3A_16 : vector<512x512xi32>
    %convert_element_type3A_18 = arith.extui %lt3A : vector<512x512xi1> to vector<512x512xi32>
    %convert_element_type3A_19 = arith.sitofp %convert_element_type3A_18 : vector<512x512xi32> to vector<512x512xf32>
    %broadcast_in_dim3A_20 = arith.constant 0.000000e+00 : f32
    %broadcast_in_dim3A_21 = vector.broadcast %broadcast_in_dim3A_20 : f32 to vector<1x8xf32>
    %scan3A = arith.constant 0 : i32
    %scan3A_22 = arith.constant 8 : i32
    %scan3A_23 = arith.addi %scan3A, %scan3A_22 : i32
    %scan3A_24 = arith.constant 1 : i32
    %scan3A_25 = scf.for %scan3A_961 = %scan3A to %scan3A_23 step %scan3A_24 iter_args(%scan3A_962 = %broadcast_in_dim3A_21) -> (vector<1x8xf32>)  : i32 {
      %mul3A_963 = arith.constant 512 : i32
      %mul3A_964 = arith.muli %scan3A_961, %mul3A_963 : i32
      %get3A_965 = arith.index_cast %mul3A_964 : i32 to index
      %get3A_966 = arith.constant 0 : index
      %get3A_967 = vector.load %arg4[%get3A_965, %get3A_966] : memref<4096x8xf32, #tpu.memory_space<vmem>>, vector<512x8xf32>
      %dot_general3A_968 = arith.constant dense<0.000000e+00> : vector<512x8xf32>
      %dot_general3A_969 = tpu.matmul %convert_element_type3A_19, %get3A_967, %dot_general3A_968 {dimension_numbers = #tpu.dot_dimension_numbers<[1], [0], [0], [1], [0, 0, 1, 1], [], []>, transpose_lhs_hint = false} : vector<512x512xf32>, vector<512x8xf32>, vector<512x8xf32> -> vector<512x8xf32>
      %add3A_970 = vector.broadcast %scan3A_962 : vector<1x8xf32> to vector<512x8xf32>
      %add3A_971 = arith.addf %add3A_970, %dot_general3A_969 : vector<512x8xf32>
      %mul3A_972 = arith.constant 512 : i32
      %mul3A_973 = arith.muli %scan3A_961, %mul3A_972 : i32
      %swap3A_974 = arith.index_cast %mul3A_973 : i32 to index
      %swap3A_975 = arith.constant 0 : index
      %swap3A_976 = vector.load %arg5[%swap3A_974, %swap3A_975] : memref<4096x8xf32, #tpu.memory_space<vmem>>, vector<512x8xf32>
      tpu.vector_store %arg5[%swap3A_974, %swap3A_975], %add3A_971 {strides = array<i32>} : memref<4096x8xf32, #tpu.memory_space<vmem>>, vector<512x8xf32>,
      %reduce_sum3A_977 = arith.constant dense<0.000000e+00> : vector<8xf32>
      %reduce_sum3A_978 = vector.multi_reduction <add>, %get3A_967, %reduce_sum3A_977 [0] : vector<512x8xf32> to vector<8xf32>
      %broadcast_in_dim3A_979 = vector.shape_cast %reduce_sum3A_978 : vector<8xf32> to vector<1x8xf32>
      %add3A_980 = arith.addf %scan3A_962, %broadcast_in_dim3A_979 : vector<1x8xf32>
      scf.yield %add3A_980 : vector<1x8xf32>
    }
    %scan3A_26 = arith.constant 8 : i32
    %convert_element_type3A_27 = arith.fptosi %scan3A_25 : vector<1x8xf32> to vector<1x8xi32>
    %add3A = arith.constant 255 : i32
    %add3A_28 = vector.broadcast %add3A : i32 to vector<1x8xi32>
    %add3A_29 = arith.addi %convert_element_type3A_27, %add3A_28 : vector<1x8xi32>
    %jit3A_30 = arith.constant 256 : i32
    %div3A = vector.broadcast %jit3A_30 : i32 to vector<1x8xi32>
    %div3A_31 = arith.divsi %add3A_29, %div3A : vector<1x8xi32>
    %sign3A = arith.constant 0 : i32
    %sign3A_32 = vector.broadcast %sign3A : i32 to vector<1x8xi32>
    %sign3A_33 = arith.cmpi sgt, %add3A_29, %sign3A_32 : vector<1x8xi32>
    %sign3A_34 = arith.extui %sign3A_33 : vector<1x8xi1> to vector<1x8xi32>
    %sign3A_35 = arith.constant 0 : i32
    %sign3A_36 = vector.broadcast %sign3A_35 : i32 to vector<1x8xi32>
    %sign3A_37 = arith.cmpi slt, %add3A_29, %sign3A_36 : vector<1x8xi32>
    %sign3A_38 = arith.extui %sign3A_37 : vector<1x8xi1> to vector<1x8xi32>
    %sign3A_39 = arith.subi %sign3A_34, %sign3A_38 : vector<1x8xi32>
    %sign3A_40 = arith.constant 0 : i32
    %sign3A_41 = arith.cmpi sgt, %jit3A_30, %sign3A_40 : i32
    %sign3A_42 = arith.extui %sign3A_41 : i1 to i32
    %sign3A_43 = arith.constant 0 : i32
    %sign3A_44 = arith.cmpi slt, %jit3A_30, %sign3A_43 : i32
    %sign3A_45 = arith.extui %sign3A_44 : i1 to i32
    %sign3A_46 = arith.subi %sign3A_42, %sign3A_45 : i32
    %ne3A = vector.broadcast %sign3A_46 : i32 to vector<1x8xi32>
    %ne3A_47 = arith.cmpi ne, %sign3A_39, %ne3A : vector<1x8xi32>
    %rem3A = vector.broadcast %jit3A_30 : i32 to vector<1x8xi32>
    %rem3A_48 = arith.remsi %add3A_29, %rem3A : vector<1x8xi32>
    %ne3A_49 = arith.constant 0 : i32
    %ne3A_50 = vector.broadcast %ne3A_49 : i32 to vector<1x8xi32>
    %ne3A_51 = arith.cmpi ne, %rem3A_48, %ne3A_50 : vector<1x8xi32>
    %and3A = arith.andi %ne3A_47, %ne3A_51 : vector<1x8xi1>
    %sub3A = arith.constant 1 : i32
    %sub3A_52 = vector.broadcast %sub3A : i32 to vector<1x8xi32>
    %sub3A_53 = arith.subi %div3A_31, %sub3A_52 : vector<1x8xi32>
    %select_n3A_54 = arith.select %and3A, %sub3A_53, %div3A_31 : vector<1x8xi1>, vector<1x8xi32>
    %mul3A = arith.constant 256 : i32
    %mul3A_55 = vector.broadcast %mul3A : i32 to vector<1x8xi32>
    %mul3A_56 = arith.muli %select_n3A_54, %mul3A_55 : vector<1x8xi32>
    %iota3A_57 = tpu.iota {dimensions = array<i32: 0>} : vector<8x8xi32>
    %iota3A_58 = tpu.iota {dimensions = array<i32: 1>} : vector<8x8xi32>
    %lt3A_59 = arith.cmpi slt, %iota3A_57, %iota3A_58 : vector<8x8xi32>
    %convert_element_type3A_60 = arith.extui %lt3A_59 : vector<8x8xi1> to vector<8x8xi32>
    %convert_element_type3A_61 = arith.sitofp %convert_element_type3A_60 : vector<8x8xi32> to vector<8x8xf32>
    %convert_element_type3A_62 = arith.sitofp %mul3A_56 : vector<1x8xi32> to vector<1x8xf32>
    %dot_general3A_63 = arith.constant dense<0.000000e+00> : vector<1x8xf32>
    %dot_general3A_64 = tpu.matmul %convert_element_type3A_62, %convert_element_type3A_61, %dot_general3A_63 {dimension_numbers = #tpu.dot_dimension_numbers<[1], [0], [0], [1], [0, 0, 1, 1], [], []>, transpose_lhs_hint = false} : vector<1x8xf32>, vector<8x8xf32>, vector<1x8xf32> -> vector<1x8xf32>
    %convert_element_type3A_65 = arith.fptosi %dot_general3A_64 : vector<1x8xf32> to vector<1x8xi32>
    %scan3A_66 = arith.constant 0 : i32
    %scan3A_67 = arith.constant 8 : i32
    %scan3A_68 = arith.addi %scan3A_66, %scan3A_67 : i32
    %scan3A_69 = arith.constant 1 : i32
    scf.for %scan3A_961 = %scan3A_66 to %scan3A_68 step %scan3A_69  : i32 {
      %mul3A_962 = arith.constant 512 : i32
      %mul3A_963 = arith.muli %scan3A_961, %mul3A_962 : i32
      %get3A_964 = arith.index_cast %mul3A_963 : i32 to index
      %get3A_965 = arith.constant 0 : index
      %get3A_966 = vector.load %arg5[%get3A_964, %get3A_965] : memref<4096x8xf32, #tpu.memory_space<vmem>>, vector<512x8xf32>
      %mul3A_967 = arith.constant 512 : i32
      %mul3A_968 = arith.muli %scan3A_961, %mul3A_967 : i32
      %get3A_969 = arith.index_cast %mul3A_968 : i32 to index
      %get3A_970 = arith.constant 0 : index
      %get3A_971 = vector.load %arg4[%get3A_969, %get3A_970] : memref<4096x8xf32, #tpu.memory_space<vmem>>, vector<512x8xf32>
      %add3A_972 = vector.broadcast %dot_general3A_64 : vector<1x8xf32> to vector<512x8xf32>
      %add3A_973 = arith.addf %add3A_972, %get3A_966 : vector<512x8xf32>
      %mul3A_974 = arith.mulf %add3A_973, %get3A_971 : vector<512x8xf32>
      %reduce_sum3A_975 = arith.constant dense<0.000000e+00> : vector<512xf32>
      %reduce_sum3A_976 = vector.multi_reduction <add>, %mul3A_974, %reduce_sum3A_975 [1] : vector<512x8xf32> to vector<512xf32>
      %broadcast_in_dim3A_977 = vector.shape_cast %reduce_sum3A_976 : vector<512xf32> to vector<512x1xf32>
      %convert_element_type3A_978 = arith.fptosi %broadcast_in_dim3A_977 : vector<512x1xf32> to vector<512x1xi32>
      %reshape3A = vector.shape_cast %convert_element_type3A_978 : vector<512x1xi32> to vector<4x128xi32>
      %mul3A_979 = arith.constant 4 : i32
      %mul3A_980 = arith.muli %scan3A_961, %mul3A_979 : i32
      %swap3A_981 = arith.index_cast %mul3A_980 : i32 to index
      %swap3A_982 = arith.constant 0 : index
      %swap3A_983 = vector.load %arg2[%swap3A_981, %swap3A_982] : memref<32x128xi32, #tpu.memory_space<vmem>>, vector<4x128xi32>
      tpu.vector_store %arg2[%swap3A_981, %swap3A_982], %reshape3A {strides = array<i32>} : memref<32x128xi32, #tpu.memory_space<vmem>>, vector<4x128xi32>,
    }
    %scan3A_70 = arith.constant 8 : i32
    %iota3A_71 = tpu.iota {dimensions = array<i32: 0>} : vector<128x1xi32>
    %sub3A_72 = arith.constant 64 : i32
    %sub3A_73 = vector.broadcast %sub3A_72 : i32 to vector<128x1xi32>
    %sub3A_74 = arith.subi %iota3A_71, %sub3A_73 : vector<128x1xi32>
    %iota3A_75 = tpu.iota {dimensions = array<i32: 1>} : vector<1x8xi32>
    %broadcast_in_dim3A_76 = arith.constant 0 : i32
    %broadcast_in_dim3A_77 = vector.broadcast %broadcast_in_dim3A_76 : i32 to vector<128x1xi32>
    %slice3A = vector.extract_strided_slice %convert_element_type3A_65 {offsets = [0, 0], sizes = [1, 1], strides = [1, 1]} : vector<1x8xi32> to vector<1x1xi32>
    %jit3A_78 = arith.constant 256 : i32
    %div3A_79 = vector.broadcast %jit3A_78 : i32 to vector<1x1xi32>
    %div3A_80 = arith.divsi %slice3A, %div3A_79 : vector<1x1xi32>
    %sign3A_81 = arith.constant 0 : i32
    %sign3A_82 = vector.broadcast %sign3A_81 : i32 to vector<1x1xi32>
    %sign3A_83 = arith.cmpi sgt, %slice3A, %sign3A_82 : vector<1x1xi32>
    %sign3A_84 = arith.extui %sign3A_83 : vector<1x1xi1> to vector<1x1xi32>
    %sign3A_85 = arith.constant 0 : i32
    %sign3A_86 = vector.broadcast %sign3A_85 : i32 to vector<1x1xi32>
    %sign3A_87 = arith.cmpi slt, %slice3A, %sign3A_86 : vector<1x1xi32>
    %sign3A_88 = arith.extui %sign3A_87 : vector<1x1xi1> to vector<1x1xi32>
    %sign3A_89 = arith.subi %sign3A_84, %sign3A_88 : vector<1x1xi32>
    %sign3A_90 = arith.constant 0 : i32
    %sign3A_91 = arith.cmpi sgt, %jit3A_78, %sign3A_90 : i32
    %sign3A_92 = arith.extui %sign3A_91 : i1 to i32
    %sign3A_93 = arith.constant 0 : i32
    %sign3A_94 = arith.cmpi slt, %jit3A_78, %sign3A_93 : i32
    %sign3A_95 = arith.extui %sign3A_94 : i1 to i32
    %sign3A_96 = arith.subi %sign3A_92, %sign3A_95 : i32
    %ne3A_97 = vector.broadcast %sign3A_96 : i32 to vector<1x1xi32>
    %ne3A_98 = arith.cmpi ne, %sign3A_89, %ne3A_97 : vector<1x1xi32>
    %rem3A_99 = vector.broadcast %jit3A_78 : i32 to vector<1x1xi32>
    %rem3A_100 = arith.remsi %slice3A, %rem3A_99 : vector<1x1xi32>
    %ne3A_101 = arith.constant 0 : i32
    %ne3A_102 = vector.broadcast %ne3A_101 : i32 to vector<1x1xi32>
    %ne3A_103 = arith.cmpi ne, %rem3A_100, %ne3A_102 : vector<1x1xi32>
    %and3A_104 = arith.andi %ne3A_98, %ne3A_103 : vector<1x1xi1>
    %sub3A_105 = arith.constant 1 : i32
    %sub3A_106 = vector.broadcast %sub3A_105 : i32 to vector<1x1xi32>
    %sub3A_107 = arith.subi %div3A_80, %sub3A_106 : vector<1x1xi32>
    %select_n3A_108 = arith.select %and3A_104, %sub3A_107, %div3A_80 : vector<1x1xi1>, vector<1x1xi32>
    %slice3A_109 = vector.extract_strided_slice %mul3A_56 {offsets = [0, 0], sizes = [1, 1], strides = [1, 1]} : vector<1x8xi32> to vector<1x1xi32>
    %jit3A_110 = arith.constant 256 : i32
    %div3A_111 = vector.broadcast %jit3A_110 : i32 to vector<1x1xi32>
    %div3A_112 = arith.divsi %slice3A_109, %div3A_111 : vector<1x1xi32>
    %sign3A_113 = arith.constant 0 : i32
    %sign3A_114 = vector.broadcast %sign3A_113 : i32 to vector<1x1xi32>
    %sign3A_115 = arith.cmpi sgt, %slice3A_109, %sign3A_114 : vector<1x1xi32>
    %sign3A_116 = arith.extui %sign3A_115 : vector<1x1xi1> to vector<1x1xi32>
    %sign3A_117 = arith.constant 0 : i32
    %sign3A_118 = vector.broadcast %sign3A_117 : i32 to vector<1x1xi32>
    %sign3A_119 = arith.cmpi slt, %slice3A_109, %sign3A_118 : vector<1x1xi32>
    %sign3A_120 = arith.extui %sign3A_119 : vector<1x1xi1> to vector<1x1xi32>
    %sign3A_121 = arith.subi %sign3A_116, %sign3A_120 : vector<1x1xi32>
    %sign3A_122 = arith.constant 0 : i32
    %sign3A_123 = arith.cmpi sgt, %jit3A_110, %sign3A_122 : i32
    %sign3A_124 = arith.extui %sign3A_123 : i1 to i32
    %sign3A_125 = arith.constant 0 : i32
    %sign3A_126 = arith.cmpi slt, %jit3A_110, %sign3A_125 : i32
    %sign3A_127 = arith.extui %sign3A_126 : i1 to i32
    %sign3A_128 = arith.subi %sign3A_124, %sign3A_127 : i32
    %ne3A_129 = vector.broadcast %sign3A_128 : i32 to vector<1x1xi32>
    %ne3A_130 = arith.cmpi ne, %sign3A_121, %ne3A_129 : vector<1x1xi32>
    %rem3A_131 = vector.broadcast %jit3A_110 : i32 to vector<1x1xi32>
    %rem3A_132 = arith.remsi %slice3A_109, %rem3A_131 : vector<1x1xi32>
    %ne3A_133 = arith.constant 0 : i32
    %ne3A_134 = vector.broadcast %ne3A_133 : i32 to vector<1x1xi32>
    %ne3A_135 = arith.cmpi ne, %rem3A_132, %ne3A_134 : vector<1x1xi32>
    %and3A_136 = arith.andi %ne3A_130, %ne3A_135 : vector<1x1xi1>
    %sub3A_137 = arith.constant 1 : i32
    %sub3A_138 = vector.broadcast %sub3A_137 : i32 to vector<1x1xi32>
    %sub3A_139 = arith.subi %div3A_112, %sub3A_138 : vector<1x1xi32>
    %select_n3A_140 = arith.select %and3A_136, %sub3A_139, %div3A_112 : vector<1x1xi1>, vector<1x1xi32>
    %ge3A = vector.broadcast %select_n3A_108 : vector<1x1xi32> to vector<128x1xi32>
    %ge3A_141 = arith.cmpi sge, %iota3A_71, %ge3A : vector<128x1xi32>
    %add3A_142 = arith.addi %select_n3A_108, %select_n3A_140 : vector<1x1xi32>
    %lt3A_143 = vector.broadcast %add3A_142 : vector<1x1xi32> to vector<128x1xi32>
    %lt3A_144 = arith.cmpi slt, %iota3A_71, %lt3A_143 : vector<128x1xi32>
    %and3A_145 = arith.andi %ge3A_141, %lt3A_144 : vector<128x1xi1>
    %convert_element_type3A_146 = arith.extui %and3A_145 : vector<128x1xi1> to vector<128x1xi32>
    %mul3A_147 = arith.constant 0 : i32
    %mul3A_148 = vector.broadcast %mul3A_147 : i32 to vector<128x1xi32>
    %mul3A_149 = arith.muli %mul3A_148, %convert_element_type3A_146 : vector<128x1xi32>
    %add3A_150 = arith.addi %broadcast_in_dim3A_77, %mul3A_149 : vector<128x1xi32>
    %gt3A = arith.constant 0 : i32
    %gt3A_151 = vector.broadcast %gt3A : i32 to vector<1x8xi32>
    %gt3A_152 = arith.cmpi sgt, %iota3A_75, %gt3A_151 : vector<1x8xi32>
    %gt3A_153 = arith.constant 0 : i32
    %gt3A_154 = vector.broadcast %gt3A_153 : i32 to vector<1x8xi32>
    %gt3A_155 = arith.cmpi sgt, %mul3A_56, %gt3A_154 : vector<1x8xi32>
    %and3A_156 = arith.andi %gt3A_152, %gt3A_155 : vector<1x8xi1>
    %jit3A_157 = arith.constant 8 : i32
    %broadcast_in_dim3A_158 = vector.broadcast %jit3A_157 : i32 to vector<1x8xi32>
    %select_n3A_159 = arith.select %and3A_156, %iota3A_75, %broadcast_in_dim3A_158 : vector<1x8xi1>, vector<1x8xi32>
    %reduce_min3A_160 = arith.constant dense<2147483647> : vector<1xi32>
    %reduce_min3A_161 = vector.multi_reduction <minsi>, %select_n3A_159, %reduce_min3A_160 [1] : vector<1x8xi32> to vector<1xi32>
    %broadcast_in_dim3A_162 = vector.shape_cast %reduce_min3A_161 : vector<1xi32> to vector<1x1xi32>
    %eq3A_163 = arith.constant 8 : i32
    %eq3A_164 = vector.broadcast %eq3A_163 : i32 to vector<1x1xi32>
    %eq3A_165 = arith.cmpi eq, %broadcast_in_dim3A_162, %eq3A_164 : vector<1x1xi32>
    %jit3A_166 = arith.constant 0 : i32
    %broadcast_in_dim3A_167 = vector.broadcast %jit3A_166 : i32 to vector<1x1xi32>
    %select_n3A_168 = arith.select %eq3A_165, %broadcast_in_dim3A_167, %broadcast_in_dim3A_162 : vector<1x1xi1>, vector<1x1xi32>
    %ge3A_169 = vector.broadcast %select_n3A_108 : vector<1x1xi32> to vector<128x1xi32>
    %ge3A_170 = arith.cmpi sge, %sub3A_74, %ge3A_169 : vector<128x1xi32>
    %add3A_171 = arith.addi %select_n3A_108, %select_n3A_140 : vector<1x1xi32>
    %lt3A_172 = vector.broadcast %add3A_171 : vector<1x1xi32> to vector<128x1xi32>
    %lt3A_173 = arith.cmpi slt, %sub3A_74, %lt3A_172 : vector<128x1xi32>
    %and3A_174 = arith.andi %ge3A_170, %lt3A_173 : vector<128x1xi1>
    %convert_element_type3A_175 = arith.extui %and3A_174 : vector<128x1xi1> to vector<128x1xi32>
    %mul3A_176 = vector.broadcast %select_n3A_168 : vector<1x1xi32> to vector<128x1xi32>
    %mul3A_177 = arith.muli %mul3A_176, %convert_element_type3A_175 : vector<128x1xi32>
    %add3A_178 = arith.addi %add3A_150, %mul3A_177 : vector<128x1xi32>
    %slice3A_179 = vector.extract_strided_slice %convert_element_type3A_65 {offsets = [0, 1], sizes = [1, 1], strides = [1, 1]} : vector<1x8xi32> to vector<1x1xi32>
    %jit3A_180 = arith.constant 256 : i32
    %div3A_181 = vector.broadcast %jit3A_180 : i32 to vector<1x1xi32>
    %div3A_182 = arith.divsi %slice3A_179, %div3A_181 : vector<1x1xi32>
    %sign3A_183 = arith.constant 0 : i32
    %sign3A_184 = vector.broadcast %sign3A_183 : i32 to vector<1x1xi32>
    %sign3A_185 = arith.cmpi sgt, %slice3A_179, %sign3A_184 : vector<1x1xi32>
    %sign3A_186 = arith.extui %sign3A_185 : vector<1x1xi1> to vector<1x1xi32>
    %sign3A_187 = arith.constant 0 : i32
    %sign3A_188 = vector.broadcast %sign3A_187 : i32 to vector<1x1xi32>
    %sign3A_189 = arith.cmpi slt, %slice3A_179, %sign3A_188 : vector<1x1xi32>
    %sign3A_190 = arith.extui %sign3A_189 : vector<1x1xi1> to vector<1x1xi32>
    %sign3A_191 = arith.subi %sign3A_186, %sign3A_190 : vector<1x1xi32>
    %sign3A_192 = arith.constant 0 : i32
    %sign3A_193 = arith.cmpi sgt, %jit3A_180, %sign3A_192 : i32
    %sign3A_194 = arith.extui %sign3A_193 : i1 to i32
    %sign3A_195 = arith.constant 0 : i32
    %sign3A_196 = arith.cmpi slt, %jit3A_180, %sign3A_195 : i32
    %sign3A_197 = arith.extui %sign3A_196 : i1 to i32
    %sign3A_198 = arith.subi %sign3A_194, %sign3A_197 : i32
    %ne3A_199 = vector.broadcast %sign3A_198 : i32 to vector<1x1xi32>
    %ne3A_200 = arith.cmpi ne, %sign3A_191, %ne3A_199 : vector<1x1xi32>
    %rem3A_201 = vector.broadcast %jit3A_180 : i32 to vector<1x1xi32>
    %rem3A_202 = arith.remsi %slice3A_179, %rem3A_201 : vector<1x1xi32>
    %ne3A_203 = arith.constant 0 : i32
    %ne3A_204 = vector.broadcast %ne3A_203 : i32 to vector<1x1xi32>
    %ne3A_205 = arith.cmpi ne, %rem3A_202, %ne3A_204 : vector<1x1xi32>
    %and3A_206 = arith.andi %ne3A_200, %ne3A_205 : vector<1x1xi1>
    %sub3A_207 = arith.constant 1 : i32
    %sub3A_208 = vector.broadcast %sub3A_207 : i32 to vector<1x1xi32>
    %sub3A_209 = arith.subi %div3A_182, %sub3A_208 : vector<1x1xi32>
    %select_n3A_210 = arith.select %and3A_206, %sub3A_209, %div3A_182 : vector<1x1xi1>, vector<1x1xi32>
    %slice3A_211 = vector.extract_strided_slice %mul3A_56 {offsets = [0, 1], sizes = [1, 1], strides = [1, 1]} : vector<1x8xi32> to vector<1x1xi32>
    %jit3A_212 = arith.constant 256 : i32
    %div3A_213 = vector.broadcast %jit3A_212 : i32 to vector<1x1xi32>
    %div3A_214 = arith.divsi %slice3A_211, %div3A_213 : vector<1x1xi32>
    %sign3A_215 = arith.constant 0 : i32
    %sign3A_216 = vector.broadcast %sign3A_215 : i32 to vector<1x1xi32>
    %sign3A_217 = arith.cmpi sgt, %slice3A_211, %sign3A_216 : vector<1x1xi32>
    %sign3A_218 = arith.extui %sign3A_217 : vector<1x1xi1> to vector<1x1xi32>
    %sign3A_219 = arith.constant 0 : i32
    %sign3A_220 = vector.broadcast %sign3A_219 : i32 to vector<1x1xi32>
    %sign3A_221 = arith.cmpi slt, %slice3A_211, %sign3A_220 : vector<1x1xi32>
    %sign3A_222 = arith.extui %sign3A_221 : vector<1x1xi1> to vector<1x1xi32>
    %sign3A_223 = arith.subi %sign3A_218, %sign3A_222 : vector<1x1xi32>
    %sign3A_224 = arith.constant 0 : i32
    %sign3A_225 = arith.cmpi sgt, %jit3A_212, %sign3A_224 : i32
    %sign3A_226 = arith.extui %sign3A_225 : i1 to i32
    %sign3A_227 = arith.constant 0 : i32
    %sign3A_228 = arith.cmpi slt, %jit3A_212, %sign3A_227 : i32
    %sign3A_229 = arith.extui %sign3A_228 : i1 to i32
    %sign3A_230 = arith.subi %sign3A_226, %sign3A_229 : i32
    %ne3A_231 = vector.broadcast %sign3A_230 : i32 to vector<1x1xi32>
    %ne3A_232 = arith.cmpi ne, %sign3A_223, %ne3A_231 : vector<1x1xi32>
    %rem3A_233 = vector.broadcast %jit3A_212 : i32 to vector<1x1xi32>
    %rem3A_234 = arith.remsi %slice3A_211, %rem3A_233 : vector<1x1xi32>
    %ne3A_235 = arith.constant 0 : i32
    %ne3A_236 = vector.broadcast %ne3A_235 : i32 to vector<1x1xi32>
    %ne3A_237 = arith.cmpi ne, %rem3A_234, %ne3A_236 : vector<1x1xi32>
    %and3A_238 = arith.andi %ne3A_232, %ne3A_237 : vector<1x1xi1>
    %sub3A_239 = arith.constant 1 : i32
    %sub3A_240 = vector.broadcast %sub3A_239 : i32 to vector<1x1xi32>
    %sub3A_241 = arith.subi %div3A_214, %sub3A_240 : vector<1x1xi32>
    %select_n3A_242 = arith.select %and3A_238, %sub3A_241, %div3A_214 : vector<1x1xi1>, vector<1x1xi32>
    %ge3A_243 = vector.broadcast %select_n3A_210 : vector<1x1xi32> to vector<128x1xi32>
    %ge3A_244 = arith.cmpi sge, %iota3A_71, %ge3A_243 : vector<128x1xi32>
    %add3A_245 = arith.addi %select_n3A_210, %select_n3A_242 : vector<1x1xi32>
    %lt3A_246 = vector.broadcast %add3A_245 : vector<1x1xi32> to vector<128x1xi32>
    %lt3A_247 = arith.cmpi slt, %iota3A_71, %lt3A_246 : vector<128x1xi32>
    %and3A_248 = arith.andi %ge3A_244, %lt3A_247 : vector<128x1xi1>
    %convert_element_type3A_249 = arith.extui %and3A_248 : vector<128x1xi1> to vector<128x1xi32>
    %mul3A_250 = arith.constant 1 : i32
    %mul3A_251 = vector.broadcast %mul3A_250 : i32 to vector<128x1xi32>
    %mul3A_252 = arith.muli %mul3A_251, %convert_element_type3A_249 : vector<128x1xi32>
    %add3A_253 = arith.addi %add3A_178, %mul3A_252 : vector<128x1xi32>
    %gt3A_254 = arith.constant 1 : i32
    %gt3A_255 = vector.broadcast %gt3A_254 : i32 to vector<1x8xi32>
    %gt3A_256 = arith.cmpi sgt, %iota3A_75, %gt3A_255 : vector<1x8xi32>
    %gt3A_257 = arith.constant 0 : i32
    %gt3A_258 = vector.broadcast %gt3A_257 : i32 to vector<1x8xi32>
    %gt3A_259 = arith.cmpi sgt, %mul3A_56, %gt3A_258 : vector<1x8xi32>
    %and3A_260 = arith.andi %gt3A_256, %gt3A_259 : vector<1x8xi1>
    %jit3A_261 = arith.constant 8 : i32
    %broadcast_in_dim3A_262 = vector.broadcast %jit3A_261 : i32 to vector<1x8xi32>
    %select_n3A_263 = arith.select %and3A_260, %iota3A_75, %broadcast_in_dim3A_262 : vector<1x8xi1>, vector<1x8xi32>
    %reduce_min3A_264 = arith.constant dense<2147483647> : vector<1xi32>
    %reduce_min3A_265 = vector.multi_reduction <minsi>, %select_n3A_263, %reduce_min3A_264 [1] : vector<1x8xi32> to vector<1xi32>
    %broadcast_in_dim3A_266 = vector.shape_cast %reduce_min3A_265 : vector<1xi32> to vector<1x1xi32>
    %eq3A_267 = arith.constant 8 : i32
    %eq3A_268 = vector.broadcast %eq3A_267 : i32 to vector<1x1xi32>
    %eq3A_269 = arith.cmpi eq, %broadcast_in_dim3A_266, %eq3A_268 : vector<1x1xi32>
    %jit3A_270 = arith.constant 1 : i32
    %broadcast_in_dim3A_271 = vector.broadcast %jit3A_270 : i32 to vector<1x1xi32>
    %select_n3A_272 = arith.select %eq3A_269, %broadcast_in_dim3A_271, %broadcast_in_dim3A_266 : vector<1x1xi1>, vector<1x1xi32>
    %ge3A_273 = vector.broadcast %select_n3A_210 : vector<1x1xi32> to vector<128x1xi32>
    %ge3A_274 = arith.cmpi sge, %sub3A_74, %ge3A_273 : vector<128x1xi32>
    %add3A_275 = arith.addi %select_n3A_210, %select_n3A_242 : vector<1x1xi32>
    %lt3A_276 = vector.broadcast %add3A_275 : vector<1x1xi32> to vector<128x1xi32>
    %lt3A_277 = arith.cmpi slt, %sub3A_74, %lt3A_276 : vector<128x1xi32>
    %and3A_278 = arith.andi %ge3A_274, %lt3A_277 : vector<128x1xi1>
    %convert_element_type3A_279 = arith.extui %and3A_278 : vector<128x1xi1> to vector<128x1xi32>
    %mul3A_280 = vector.broadcast %select_n3A_272 : vector<1x1xi32> to vector<128x1xi32>
    %mul3A_281 = arith.muli %mul3A_280, %convert_element_type3A_279 : vector<128x1xi32>
    %add3A_282 = arith.addi %add3A_253, %mul3A_281 : vector<128x1xi32>
    %slice3A_283 = vector.extract_strided_slice %convert_element_type3A_65 {offsets = [0, 2], sizes = [1, 1], strides = [1, 1]} : vector<1x8xi32> to vector<1x1xi32>
    %jit3A_284 = arith.constant 256 : i32
    %div3A_285 = vector.broadcast %jit3A_284 : i32 to vector<1x1xi32>
    %div3A_286 = arith.divsi %slice3A_283, %div3A_285 : vector<1x1xi32>
    %sign3A_287 = arith.constant 0 : i32
    %sign3A_288 = vector.broadcast %sign3A_287 : i32 to vector<1x1xi32>
    %sign3A_289 = arith.cmpi sgt, %slice3A_283, %sign3A_288 : vector<1x1xi32>
    %sign3A_290 = arith.extui %sign3A_289 : vector<1x1xi1> to vector<1x1xi32>
    %sign3A_291 = arith.constant 0 : i32
    %sign3A_292 = vector.broadcast %sign3A_291 : i32 to vector<1x1xi32>
    %sign3A_293 = arith.cmpi slt, %slice3A_283, %sign3A_292 : vector<1x1xi32>
    %sign3A_294 = arith.extui %sign3A_293 : vector<1x1xi1> to vector<1x1xi32>
    %sign3A_295 = arith.subi %sign3A_290, %sign3A_294 : vector<1x1xi32>
    %sign3A_296 = arith.constant 0 : i32
    %sign3A_297 = arith.cmpi sgt, %jit3A_284, %sign3A_296 : i32
    %sign3A_298 = arith.extui %sign3A_297 : i1 to i32
    %sign3A_299 = arith.constant 0 : i32
    %sign3A_300 = arith.cmpi slt, %jit3A_284, %sign3A_299 : i32
    %sign3A_301 = arith.extui %sign3A_300 : i1 to i32
    %sign3A_302 = arith.subi %sign3A_298, %sign3A_301 : i32
    %ne3A_303 = vector.broadcast %sign3A_302 : i32 to vector<1x1xi32>
    %ne3A_304 = arith.cmpi ne, %sign3A_295, %ne3A_303 : vector<1x1xi32>
    %rem3A_305 = vector.broadcast %jit3A_284 : i32 to vector<1x1xi32>
    %rem3A_306 = arith.remsi %slice3A_283, %rem3A_305 : vector<1x1xi32>
    %ne3A_307 = arith.constant 0 : i32
    %ne3A_308 = vector.broadcast %ne3A_307 : i32 to vector<1x1xi32>
    %ne3A_309 = arith.cmpi ne, %rem3A_306, %ne3A_308 : vector<1x1xi32>
    %and3A_310 = arith.andi %ne3A_304, %ne3A_309 : vector<1x1xi1>
    %sub3A_311 = arith.constant 1 : i32
    %sub3A_312 = vector.broadcast %sub3A_311 : i32 to vector<1x1xi32>
    %sub3A_313 = arith.subi %div3A_286, %sub3A_312 : vector<1x1xi32>
    %select_n3A_314 = arith.select %and3A_310, %sub3A_313, %div3A_286 : vector<1x1xi1>, vector<1x1xi32>
    %slice3A_315 = vector.extract_strided_slice %mul3A_56 {offsets = [0, 2], sizes = [1, 1], strides = [1, 1]} : vector<1x8xi32> to vector<1x1xi32>
    %jit3A_316 = arith.constant 256 : i32
    %div3A_317 = vector.broadcast %jit3A_316 : i32 to vector<1x1xi32>
    %div3A_318 = arith.divsi %slice3A_315, %div3A_317 : vector<1x1xi32>
    %sign3A_319 = arith.constant 0 : i32
    %sign3A_320 = vector.broadcast %sign3A_319 : i32 to vector<1x1xi32>
    %sign3A_321 = arith.cmpi sgt, %slice3A_315, %sign3A_320 : vector<1x1xi32>
    %sign3A_322 = arith.extui %sign3A_321 : vector<1x1xi1> to vector<1x1xi32>
    %sign3A_323 = arith.constant 0 : i32
    %sign3A_324 = vector.broadcast %sign3A_323 : i32 to vector<1x1xi32>
    %sign3A_325 = arith.cmpi slt, %slice3A_315, %sign3A_324 : vector<1x1xi32>
    %sign3A_326 = arith.extui %sign3A_325 : vector<1x1xi1> to vector<1x1xi32>
    %sign3A_327 = arith.subi %sign3A_322, %sign3A_326 : vector<1x1xi32>
    %sign3A_328 = arith.constant 0 : i32
    %sign3A_329 = arith.cmpi sgt, %jit3A_316, %sign3A_328 : i32
    %sign3A_330 = arith.extui %sign3A_329 : i1 to i32
    %sign3A_331 = arith.constant 0 : i32
    %sign3A_332 = arith.cmpi slt, %jit3A_316, %sign3A_331 : i32
    %sign3A_333 = arith.extui %sign3A_332 : i1 to i32
    %sign3A_334 = arith.subi %sign3A_330, %sign3A_333 : i32
    %ne3A_335 = vector.broadcast %sign3A_334 : i32 to vector<1x1xi32>
    %ne3A_336 = arith.cmpi ne, %sign3A_327, %ne3A_335 : vector<1x1xi32>
    %rem3A_337 = vector.broadcast %jit3A_316 : i32 to vector<1x1xi32>
    %rem3A_338 = arith.remsi %slice3A_315, %rem3A_337 : vector<1x1xi32>
    %ne3A_339 = arith.constant 0 : i32
    %ne3A_340 = vector.broadcast %ne3A_339 : i32 to vector<1x1xi32>
    %ne3A_341 = arith.cmpi ne, %rem3A_338, %ne3A_340 : vector<1x1xi32>
    %and3A_342 = arith.andi %ne3A_336, %ne3A_341 : vector<1x1xi1>
    %sub3A_343 = arith.constant 1 : i32
    %sub3A_344 = vector.broadcast %sub3A_343 : i32 to vector<1x1xi32>
    %sub3A_345 = arith.subi %div3A_318, %sub3A_344 : vector<1x1xi32>
    %select_n3A_346 = arith.select %and3A_342, %sub3A_345, %div3A_318 : vector<1x1xi1>, vector<1x1xi32>
    %ge3A_347 = vector.broadcast %select_n3A_314 : vector<1x1xi32> to vector<128x1xi32>
    %ge3A_348 = arith.cmpi sge, %iota3A_71, %ge3A_347 : vector<128x1xi32>
    %add3A_349 = arith.addi %select_n3A_314, %select_n3A_346 : vector<1x1xi32>
    %lt3A_350 = vector.broadcast %add3A_349 : vector<1x1xi32> to vector<128x1xi32>
    %lt3A_351 = arith.cmpi slt, %iota3A_71, %lt3A_350 : vector<128x1xi32>
    %and3A_352 = arith.andi %ge3A_348, %lt3A_351 : vector<128x1xi1>
    %convert_element_type3A_353 = arith.extui %and3A_352 : vector<128x1xi1> to vector<128x1xi32>
    %mul3A_354 = arith.constant 2 : i32
    %mul3A_355 = vector.broadcast %mul3A_354 : i32 to vector<128x1xi32>
    %mul3A_356 = arith.muli %mul3A_355, %convert_element_type3A_353 : vector<128x1xi32>
    %add3A_357 = arith.addi %add3A_282, %mul3A_356 : vector<128x1xi32>
    %gt3A_358 = arith.constant 2 : i32
    %gt3A_359 = vector.broadcast %gt3A_358 : i32 to vector<1x8xi32>
    %gt3A_360 = arith.cmpi sgt, %iota3A_75, %gt3A_359 : vector<1x8xi32>
    %gt3A_361 = arith.constant 0 : i32
    %gt3A_362 = vector.broadcast %gt3A_361 : i32 to vector<1x8xi32>
    %gt3A_363 = arith.cmpi sgt, %mul3A_56, %gt3A_362 : vector<1x8xi32>
    %and3A_364 = arith.andi %gt3A_360, %gt3A_363 : vector<1x8xi1>
    %jit3A_365 = arith.constant 8 : i32
    %broadcast_in_dim3A_366 = vector.broadcast %jit3A_365 : i32 to vector<1x8xi32>
    %select_n3A_367 = arith.select %and3A_364, %iota3A_75, %broadcast_in_dim3A_366 : vector<1x8xi1>, vector<1x8xi32>
    %reduce_min3A_368 = arith.constant dense<2147483647> : vector<1xi32>
    %reduce_min3A_369 = vector.multi_reduction <minsi>, %select_n3A_367, %reduce_min3A_368 [1] : vector<1x8xi32> to vector<1xi32>
    %broadcast_in_dim3A_370 = vector.shape_cast %reduce_min3A_369 : vector<1xi32> to vector<1x1xi32>
    %eq3A_371 = arith.constant 8 : i32
    %eq3A_372 = vector.broadcast %eq3A_371 : i32 to vector<1x1xi32>
    %eq3A_373 = arith.cmpi eq, %broadcast_in_dim3A_370, %eq3A_372 : vector<1x1xi32>
    %jit3A_374 = arith.constant 2 : i32
    %broadcast_in_dim3A_375 = vector.broadcast %jit3A_374 : i32 to vector<1x1xi32>
    %select_n3A_376 = arith.select %eq3A_373, %broadcast_in_dim3A_375, %broadcast_in_dim3A_370 : vector<1x1xi1>, vector<1x1xi32>
    %ge3A_377 = vector.broadcast %select_n3A_314 : vector<1x1xi32> to vector<128x1xi32>
    %ge3A_378 = arith.cmpi sge, %sub3A_74, %ge3A_377 : vector<128x1xi32>
    %add3A_379 = arith.addi %select_n3A_314, %select_n3A_346 : vector<1x1xi32>
    %lt3A_380 = vector.broadcast %add3A_379 : vector<1x1xi32> to vector<128x1xi32>
    %lt3A_381 = arith.cmpi slt, %sub3A_74, %lt3A_380 : vector<128x1xi32>
    %and3A_382 = arith.andi %ge3A_378, %lt3A_381 : vector<128x1xi1>
    %convert_element_type3A_383 = arith.extui %and3A_382 : vector<128x1xi1> to vector<128x1xi32>
    %mul3A_384 = vector.broadcast %select_n3A_376 : vector<1x1xi32> to vector<128x1xi32>
    %mul3A_385 = arith.muli %mul3A_384, %convert_element_type3A_383 : vector<128x1xi32>
    %add3A_386 = arith.addi %add3A_357, %mul3A_385 : vector<128x1xi32>
    %slice3A_387 = vector.extract_strided_slice %convert_element_type3A_65 {offsets = [0, 3], sizes = [1, 1], strides = [1, 1]} : vector<1x8xi32> to vector<1x1xi32>
    %jit3A_388 = arith.constant 256 : i32
    %div3A_389 = vector.broadcast %jit3A_388 : i32 to vector<1x1xi32>
    %div3A_390 = arith.divsi %slice3A_387, %div3A_389 : vector<1x1xi32>
    %sign3A_391 = arith.constant 0 : i32
    %sign3A_392 = vector.broadcast %sign3A_391 : i32 to vector<1x1xi32>
    %sign3A_393 = arith.cmpi sgt, %slice3A_387, %sign3A_392 : vector<1x1xi32>
    %sign3A_394 = arith.extui %sign3A_393 : vector<1x1xi1> to vector<1x1xi32>
    %sign3A_395 = arith.constant 0 : i32
    %sign3A_396 = vector.broadcast %sign3A_395 : i32 to vector<1x1xi32>
    %sign3A_397 = arith.cmpi slt, %slice3A_387, %sign3A_396 : vector<1x1xi32>
    %sign3A_398 = arith.extui %sign3A_397 : vector<1x1xi1> to vector<1x1xi32>
    %sign3A_399 = arith.subi %sign3A_394, %sign3A_398 : vector<1x1xi32>
    %sign3A_400 = arith.constant 0 : i32
    %sign3A_401 = arith.cmpi sgt, %jit3A_388, %sign3A_400 : i32
    %sign3A_402 = arith.extui %sign3A_401 : i1 to i32
    %sign3A_403 = arith.constant 0 : i32
    %sign3A_404 = arith.cmpi slt, %jit3A_388, %sign3A_403 : i32
    %sign3A_405 = arith.extui %sign3A_404 : i1 to i32
    %sign3A_406 = arith.subi %sign3A_402, %sign3A_405 : i32
    %ne3A_407 = vector.broadcast %sign3A_406 : i32 to vector<1x1xi32>
    %ne3A_408 = arith.cmpi ne, %sign3A_399, %ne3A_407 : vector<1x1xi32>
    %rem3A_409 = vector.broadcast %jit3A_388 : i32 to vector<1x1xi32>
    %rem3A_410 = arith.remsi %slice3A_387, %rem3A_409 : vector<1x1xi32>
    %ne3A_411 = arith.constant 0 : i32
    %ne3A_412 = vector.broadcast %ne3A_411 : i32 to vector<1x1xi32>
    %ne3A_413 = arith.cmpi ne, %rem3A_410, %ne3A_412 : vector<1x1xi32>
    %and3A_414 = arith.andi %ne3A_408, %ne3A_413 : vector<1x1xi1>
    %sub3A_415 = arith.constant 1 : i32
    %sub3A_416 = vector.broadcast %sub3A_415 : i32 to vector<1x1xi32>
    %sub3A_417 = arith.subi %div3A_390, %sub3A_416 : vector<1x1xi32>
    %select_n3A_418 = arith.select %and3A_414, %sub3A_417, %div3A_390 : vector<1x1xi1>, vector<1x1xi32>
    %slice3A_419 = vector.extract_strided_slice %mul3A_56 {offsets = [0, 3], sizes = [1, 1], strides = [1, 1]} : vector<1x8xi32> to vector<1x1xi32>
    %jit3A_420 = arith.constant 256 : i32
    %div3A_421 = vector.broadcast %jit3A_420 : i32 to vector<1x1xi32>
    %div3A_422 = arith.divsi %slice3A_419, %div3A_421 : vector<1x1xi32>
    %sign3A_423 = arith.constant 0 : i32
    %sign3A_424 = vector.broadcast %sign3A_423 : i32 to vector<1x1xi32>
    %sign3A_425 = arith.cmpi sgt, %slice3A_419, %sign3A_424 : vector<1x1xi32>
    %sign3A_426 = arith.extui %sign3A_425 : vector<1x1xi1> to vector<1x1xi32>
    %sign3A_427 = arith.constant 0 : i32
    %sign3A_428 = vector.broadcast %sign3A_427 : i32 to vector<1x1xi32>
    %sign3A_429 = arith.cmpi slt, %slice3A_419, %sign3A_428 : vector<1x1xi32>
    %sign3A_430 = arith.extui %sign3A_429 : vector<1x1xi1> to vector<1x1xi32>
    %sign3A_431 = arith.subi %sign3A_426, %sign3A_430 : vector<1x1xi32>
    %sign3A_432 = arith.constant 0 : i32
    %sign3A_433 = arith.cmpi sgt, %jit3A_420, %sign3A_432 : i32
    %sign3A_434 = arith.extui %sign3A_433 : i1 to i32
    %sign3A_435 = arith.constant 0 : i32
    %sign3A_436 = arith.cmpi slt, %jit3A_420, %sign3A_435 : i32
    %sign3A_437 = arith.extui %sign3A_436 : i1 to i32
    %sign3A_438 = arith.subi %sign3A_434, %sign3A_437 : i32
    %ne3A_439 = vector.broadcast %sign3A_438 : i32 to vector<1x1xi32>
    %ne3A_440 = arith.cmpi ne, %sign3A_431, %ne3A_439 : vector<1x1xi32>
    %rem3A_441 = vector.broadcast %jit3A_420 : i32 to vector<1x1xi32>
    %rem3A_442 = arith.remsi %slice3A_419, %rem3A_441 : vector<1x1xi32>
    %ne3A_443 = arith.constant 0 : i32
    %ne3A_444 = vector.broadcast %ne3A_443 : i32 to vector<1x1xi32>
    %ne3A_445 = arith.cmpi ne, %rem3A_442, %ne3A_444 : vector<1x1xi32>
    %and3A_446 = arith.andi %ne3A_440, %ne3A_445 : vector<1x1xi1>
    %sub3A_447 = arith.constant 1 : i32
    %sub3A_448 = vector.broadcast %sub3A_447 : i32 to vector<1x1xi32>
    %sub3A_449 = arith.subi %div3A_422, %sub3A_448 : vector<1x1xi32>
    %select_n3A_450 = arith.select %and3A_446, %sub3A_449, %div3A_422 : vector<1x1xi1>, vector<1x1xi32>
    %ge3A_451 = vector.broadcast %select_n3A_418 : vector<1x1xi32> to vector<128x1xi32>
    %ge3A_452 = arith.cmpi sge, %iota3A_71, %ge3A_451 : vector<128x1xi32>
    %add3A_453 = arith.addi %select_n3A_418, %select_n3A_450 : vector<1x1xi32>
    %lt3A_454 = vector.broadcast %add3A_453 : vector<1x1xi32> to vector<128x1xi32>
    %lt3A_455 = arith.cmpi slt, %iota3A_71, %lt3A_454 : vector<128x1xi32>
    %and3A_456 = arith.andi %ge3A_452, %lt3A_455 : vector<128x1xi1>
    %convert_element_type3A_457 = arith.extui %and3A_456 : vector<128x1xi1> to vector<128x1xi32>
    %mul3A_458 = arith.constant 3 : i32
    %mul3A_459 = vector.broadcast %mul3A_458 : i32 to vector<128x1xi32>
    %mul3A_460 = arith.muli %mul3A_459, %convert_element_type3A_457 : vector<128x1xi32>
    %add3A_461 = arith.addi %add3A_386, %mul3A_460 : vector<128x1xi32>
    %gt3A_462 = arith.constant 3 : i32
    %gt3A_463 = vector.broadcast %gt3A_462 : i32 to vector<1x8xi32>
    %gt3A_464 = arith.cmpi sgt, %iota3A_75, %gt3A_463 : vector<1x8xi32>
    %gt3A_465 = arith.constant 0 : i32
    %gt3A_466 = vector.broadcast %gt3A_465 : i32 to vector<1x8xi32>
    %gt3A_467 = arith.cmpi sgt, %mul3A_56, %gt3A_466 : vector<1x8xi32>
    %and3A_468 = arith.andi %gt3A_464, %gt3A_467 : vector<1x8xi1>
    %jit3A_469 = arith.constant 8 : i32
    %broadcast_in_dim3A_470 = vector.broadcast %jit3A_469 : i32 to vector<1x8xi32>
    %select_n3A_471 = arith.select %and3A_468, %iota3A_75, %broadcast_in_dim3A_470 : vector<1x8xi1>, vector<1x8xi32>
    %reduce_min3A_472 = arith.constant dense<2147483647> : vector<1xi32>
    %reduce_min3A_473 = vector.multi_reduction <minsi>, %select_n3A_471, %reduce_min3A_472 [1] : vector<1x8xi32> to vector<1xi32>
    %broadcast_in_dim3A_474 = vector.shape_cast %reduce_min3A_473 : vector<1xi32> to vector<1x1xi32>
    %eq3A_475 = arith.constant 8 : i32
    %eq3A_476 = vector.broadcast %eq3A_475 : i32 to vector<1x1xi32>
    %eq3A_477 = arith.cmpi eq, %broadcast_in_dim3A_474, %eq3A_476 : vector<1x1xi32>
    %jit3A_478 = arith.constant 3 : i32
    %broadcast_in_dim3A_479 = vector.broadcast %jit3A_478 : i32 to vector<1x1xi32>
    %select_n3A_480 = arith.select %eq3A_477, %broadcast_in_dim3A_479, %broadcast_in_dim3A_474 : vector<1x1xi1>, vector<1x1xi32>
    %ge3A_481 = vector.broadcast %select_n3A_418 : vector<1x1xi32> to vector<128x1xi32>
    %ge3A_482 = arith.cmpi sge, %sub3A_74, %ge3A_481 : vector<128x1xi32>
    %add3A_483 = arith.addi %select_n3A_418, %select_n3A_450 : vector<1x1xi32>
    %lt3A_484 = vector.broadcast %add3A_483 : vector<1x1xi32> to vector<128x1xi32>
    %lt3A_485 = arith.cmpi slt, %sub3A_74, %lt3A_484 : vector<128x1xi32>
    %and3A_486 = arith.andi %ge3A_482, %lt3A_485 : vector<128x1xi1>
    %convert_element_type3A_487 = arith.extui %and3A_486 : vector<128x1xi1> to vector<128x1xi32>
    %mul3A_488 = vector.broadcast %select_n3A_480 : vector<1x1xi32> to vector<128x1xi32>
    %mul3A_489 = arith.muli %mul3A_488, %convert_element_type3A_487 : vector<128x1xi32>
    %add3A_490 = arith.addi %add3A_461, %mul3A_489 : vector<128x1xi32>
    %slice3A_491 = vector.extract_strided_slice %convert_element_type3A_65 {offsets = [0, 4], sizes = [1, 1], strides = [1, 1]} : vector<1x8xi32> to vector<1x1xi32>
    %jit3A_492 = arith.constant 256 : i32
    %div3A_493 = vector.broadcast %jit3A_492 : i32 to vector<1x1xi32>
    %div3A_494 = arith.divsi %slice3A_491, %div3A_493 : vector<1x1xi32>
    %sign3A_495 = arith.constant 0 : i32
    %sign3A_496 = vector.broadcast %sign3A_495 : i32 to vector<1x1xi32>
    %sign3A_497 = arith.cmpi sgt, %slice3A_491, %sign3A_496 : vector<1x1xi32>
    %sign3A_498 = arith.extui %sign3A_497 : vector<1x1xi1> to vector<1x1xi32>
    %sign3A_499 = arith.constant 0 : i32
    %sign3A_500 = vector.broadcast %sign3A_499 : i32 to vector<1x1xi32>
    %sign3A_501 = arith.cmpi slt, %slice3A_491, %sign3A_500 : vector<1x1xi32>
    %sign3A_502 = arith.extui %sign3A_501 : vector<1x1xi1> to vector<1x1xi32>
    %sign3A_503 = arith.subi %sign3A_498, %sign3A_502 : vector<1x1xi32>
    %sign3A_504 = arith.constant 0 : i32
    %sign3A_505 = arith.cmpi sgt, %jit3A_492, %sign3A_504 : i32
    %sign3A_506 = arith.extui %sign3A_505 : i1 to i32
    %sign3A_507 = arith.constant 0 : i32
    %sign3A_508 = arith.cmpi slt, %jit3A_492, %sign3A_507 : i32
    %sign3A_509 = arith.extui %sign3A_508 : i1 to i32
    %sign3A_510 = arith.subi %sign3A_506, %sign3A_509 : i32
    %ne3A_511 = vector.broadcast %sign3A_510 : i32 to vector<1x1xi32>
    %ne3A_512 = arith.cmpi ne, %sign3A_503, %ne3A_511 : vector<1x1xi32>
    %rem3A_513 = vector.broadcast %jit3A_492 : i32 to vector<1x1xi32>
    %rem3A_514 = arith.remsi %slice3A_491, %rem3A_513 : vector<1x1xi32>
    %ne3A_515 = arith.constant 0 : i32
    %ne3A_516 = vector.broadcast %ne3A_515 : i32 to vector<1x1xi32>
    %ne3A_517 = arith.cmpi ne, %rem3A_514, %ne3A_516 : vector<1x1xi32>
    %and3A_518 = arith.andi %ne3A_512, %ne3A_517 : vector<1x1xi1>
    %sub3A_519 = arith.constant 1 : i32
    %sub3A_520 = vector.broadcast %sub3A_519 : i32 to vector<1x1xi32>
    %sub3A_521 = arith.subi %div3A_494, %sub3A_520 : vector<1x1xi32>
    %select_n3A_522 = arith.select %and3A_518, %sub3A_521, %div3A_494 : vector<1x1xi1>, vector<1x1xi32>
    %slice3A_523 = vector.extract_strided_slice %mul3A_56 {offsets = [0, 4], sizes = [1, 1], strides = [1, 1]} : vector<1x8xi32> to vector<1x1xi32>
    %jit3A_524 = arith.constant 256 : i32
    %div3A_525 = vector.broadcast %jit3A_524 : i32 to vector<1x1xi32>
    %div3A_526 = arith.divsi %slice3A_523, %div3A_525 : vector<1x1xi32>
    %sign3A_527 = arith.constant 0 : i32
    %sign3A_528 = vector.broadcast %sign3A_527 : i32 to vector<1x1xi32>
    %sign3A_529 = arith.cmpi sgt, %slice3A_523, %sign3A_528 : vector<1x1xi32>
    %sign3A_530 = arith.extui %sign3A_529 : vector<1x1xi1> to vector<1x1xi32>
    %sign3A_531 = arith.constant 0 : i32
    %sign3A_532 = vector.broadcast %sign3A_531 : i32 to vector<1x1xi32>
    %sign3A_533 = arith.cmpi slt, %slice3A_523, %sign3A_532 : vector<1x1xi32>
    %sign3A_534 = arith.extui %sign3A_533 : vector<1x1xi1> to vector<1x1xi32>
    %sign3A_535 = arith.subi %sign3A_530, %sign3A_534 : vector<1x1xi32>
    %sign3A_536 = arith.constant 0 : i32
    %sign3A_537 = arith.cmpi sgt, %jit3A_524, %sign3A_536 : i32
    %sign3A_538 = arith.extui %sign3A_537 : i1 to i32
    %sign3A_539 = arith.constant 0 : i32
    %sign3A_540 = arith.cmpi slt, %jit3A_524, %sign3A_539 : i32
    %sign3A_541 = arith.extui %sign3A_540 : i1 to i32
    %sign3A_542 = arith.subi %sign3A_538, %sign3A_541 : i32
    %ne3A_543 = vector.broadcast %sign3A_542 : i32 to vector<1x1xi32>
    %ne3A_544 = arith.cmpi ne, %sign3A_535, %ne3A_543 : vector<1x1xi32>
    %rem3A_545 = vector.broadcast %jit3A_524 : i32 to vector<1x1xi32>
    %rem3A_546 = arith.remsi %slice3A_523, %rem3A_545 : vector<1x1xi32>
    %ne3A_547 = arith.constant 0 : i32
    %ne3A_548 = vector.broadcast %ne3A_547 : i32 to vector<1x1xi32>
    %ne3A_549 = arith.cmpi ne, %rem3A_546, %ne3A_548 : vector<1x1xi32>
    %and3A_550 = arith.andi %ne3A_544, %ne3A_549 : vector<1x1xi1>
    %sub3A_551 = arith.constant 1 : i32
    %sub3A_552 = vector.broadcast %sub3A_551 : i32 to vector<1x1xi32>
    %sub3A_553 = arith.subi %div3A_526, %sub3A_552 : vector<1x1xi32>
    %select_n3A_554 = arith.select %and3A_550, %sub3A_553, %div3A_526 : vector<1x1xi1>, vector<1x1xi32>
    %ge3A_555 = vector.broadcast %select_n3A_522 : vector<1x1xi32> to vector<128x1xi32>
    %ge3A_556 = arith.cmpi sge, %iota3A_71, %ge3A_555 : vector<128x1xi32>
    %add3A_557 = arith.addi %select_n3A_522, %select_n3A_554 : vector<1x1xi32>
    %lt3A_558 = vector.broadcast %add3A_557 : vector<1x1xi32> to vector<128x1xi32>
    %lt3A_559 = arith.cmpi slt, %iota3A_71, %lt3A_558 : vector<128x1xi32>
    %and3A_560 = arith.andi %ge3A_556, %lt3A_559 : vector<128x1xi1>
    %convert_element_type3A_561 = arith.extui %and3A_560 : vector<128x1xi1> to vector<128x1xi32>
    %mul3A_562 = arith.constant 4 : i32
    %mul3A_563 = vector.broadcast %mul3A_562 : i32 to vector<128x1xi32>
    %mul3A_564 = arith.muli %mul3A_563, %convert_element_type3A_561 : vector<128x1xi32>
    %add3A_565 = arith.addi %add3A_490, %mul3A_564 : vector<128x1xi32>
    %gt3A_566 = arith.constant 4 : i32
    %gt3A_567 = vector.broadcast %gt3A_566 : i32 to vector<1x8xi32>
    %gt3A_568 = arith.cmpi sgt, %iota3A_75, %gt3A_567 : vector<1x8xi32>
    %gt3A_569 = arith.constant 0 : i32
    %gt3A_570 = vector.broadcast %gt3A_569 : i32 to vector<1x8xi32>
    %gt3A_571 = arith.cmpi sgt, %mul3A_56, %gt3A_570 : vector<1x8xi32>
    %and3A_572 = arith.andi %gt3A_568, %gt3A_571 : vector<1x8xi1>
    %jit3A_573 = arith.constant 8 : i32
    %broadcast_in_dim3A_574 = vector.broadcast %jit3A_573 : i32 to vector<1x8xi32>
    %select_n3A_575 = arith.select %and3A_572, %iota3A_75, %broadcast_in_dim3A_574 : vector<1x8xi1>, vector<1x8xi32>
    %reduce_min3A_576 = arith.constant dense<2147483647> : vector<1xi32>
    %reduce_min3A_577 = vector.multi_reduction <minsi>, %select_n3A_575, %reduce_min3A_576 [1] : vector<1x8xi32> to vector<1xi32>
    %broadcast_in_dim3A_578 = vector.shape_cast %reduce_min3A_577 : vector<1xi32> to vector<1x1xi32>
    %eq3A_579 = arith.constant 8 : i32
    %eq3A_580 = vector.broadcast %eq3A_579 : i32 to vector<1x1xi32>
    %eq3A_581 = arith.cmpi eq, %broadcast_in_dim3A_578, %eq3A_580 : vector<1x1xi32>
    %jit3A_582 = arith.constant 4 : i32
    %broadcast_in_dim3A_583 = vector.broadcast %jit3A_582 : i32 to vector<1x1xi32>
    %select_n3A_584 = arith.select %eq3A_581, %broadcast_in_dim3A_583, %broadcast_in_dim3A_578 : vector<1x1xi1>, vector<1x1xi32>
    %ge3A_585 = vector.broadcast %select_n3A_522 : vector<1x1xi32> to vector<128x1xi32>
    %ge3A_586 = arith.cmpi sge, %sub3A_74, %ge3A_585 : vector<128x1xi32>
    %add3A_587 = arith.addi %select_n3A_522, %select_n3A_554 : vector<1x1xi32>
    %lt3A_588 = vector.broadcast %add3A_587 : vector<1x1xi32> to vector<128x1xi32>
    %lt3A_589 = arith.cmpi slt, %sub3A_74, %lt3A_588 : vector<128x1xi32>
    %and3A_590 = arith.andi %ge3A_586, %lt3A_589 : vector<128x1xi1>
    %convert_element_type3A_591 = arith.extui %and3A_590 : vector<128x1xi1> to vector<128x1xi32>
    %mul3A_592 = vector.broadcast %select_n3A_584 : vector<1x1xi32> to vector<128x1xi32>
    %mul3A_593 = arith.muli %mul3A_592, %convert_element_type3A_591 : vector<128x1xi32>
    %add3A_594 = arith.addi %add3A_565, %mul3A_593 : vector<128x1xi32>
    %slice3A_595 = vector.extract_strided_slice %convert_element_type3A_65 {offsets = [0, 5], sizes = [1, 1], strides = [1, 1]} : vector<1x8xi32> to vector<1x1xi32>
    %jit3A_596 = arith.constant 256 : i32
    %div3A_597 = vector.broadcast %jit3A_596 : i32 to vector<1x1xi32>
    %div3A_598 = arith.divsi %slice3A_595, %div3A_597 : vector<1x1xi32>
    %sign3A_599 = arith.constant 0 : i32
    %sign3A_600 = vector.broadcast %sign3A_599 : i32 to vector<1x1xi32>
    %sign3A_601 = arith.cmpi sgt, %slice3A_595, %sign3A_600 : vector<1x1xi32>
    %sign3A_602 = arith.extui %sign3A_601 : vector<1x1xi1> to vector<1x1xi32>
    %sign3A_603 = arith.constant 0 : i32
    %sign3A_604 = vector.broadcast %sign3A_603 : i32 to vector<1x1xi32>
    %sign3A_605 = arith.cmpi slt, %slice3A_595, %sign3A_604 : vector<1x1xi32>
    %sign3A_606 = arith.extui %sign3A_605 : vector<1x1xi1> to vector<1x1xi32>
    %sign3A_607 = arith.subi %sign3A_602, %sign3A_606 : vector<1x1xi32>
    %sign3A_608 = arith.constant 0 : i32
    %sign3A_609 = arith.cmpi sgt, %jit3A_596, %sign3A_608 : i32
    %sign3A_610 = arith.extui %sign3A_609 : i1 to i32
    %sign3A_611 = arith.constant 0 : i32
    %sign3A_612 = arith.cmpi slt, %jit3A_596, %sign3A_611 : i32
    %sign3A_613 = arith.extui %sign3A_612 : i1 to i32
    %sign3A_614 = arith.subi %sign3A_610, %sign3A_613 : i32
    %ne3A_615 = vector.broadcast %sign3A_614 : i32 to vector<1x1xi32>
    %ne3A_616 = arith.cmpi ne, %sign3A_607, %ne3A_615 : vector<1x1xi32>
    %rem3A_617 = vector.broadcast %jit3A_596 : i32 to vector<1x1xi32>
    %rem3A_618 = arith.remsi %slice3A_595, %rem3A_617 : vector<1x1xi32>
    %ne3A_619 = arith.constant 0 : i32
    %ne3A_620 = vector.broadcast %ne3A_619 : i32 to vector<1x1xi32>
    %ne3A_621 = arith.cmpi ne, %rem3A_618, %ne3A_620 : vector<1x1xi32>
    %and3A_622 = arith.andi %ne3A_616, %ne3A_621 : vector<1x1xi1>
    %sub3A_623 = arith.constant 1 : i32
    %sub3A_624 = vector.broadcast %sub3A_623 : i32 to vector<1x1xi32>
    %sub3A_625 = arith.subi %div3A_598, %sub3A_624 : vector<1x1xi32>
    %select_n3A_626 = arith.select %and3A_622, %sub3A_625, %div3A_598 : vector<1x1xi1>, vector<1x1xi32>
    %slice3A_627 = vector.extract_strided_slice %mul3A_56 {offsets = [0, 5], sizes = [1, 1], strides = [1, 1]} : vector<1x8xi32> to vector<1x1xi32>
    %jit3A_628 = arith.constant 256 : i32
    %div3A_629 = vector.broadcast %jit3A_628 : i32 to vector<1x1xi32>
    %div3A_630 = arith.divsi %slice3A_627, %div3A_629 : vector<1x1xi32>
    %sign3A_631 = arith.constant 0 : i32
    %sign3A_632 = vector.broadcast %sign3A_631 : i32 to vector<1x1xi32>
    %sign3A_633 = arith.cmpi sgt, %slice3A_627, %sign3A_632 : vector<1x1xi32>
    %sign3A_634 = arith.extui %sign3A_633 : vector<1x1xi1> to vector<1x1xi32>
    %sign3A_635 = arith.constant 0 : i32
    %sign3A_636 = vector.broadcast %sign3A_635 : i32 to vector<1x1xi32>
    %sign3A_637 = arith.cmpi slt, %slice3A_627, %sign3A_636 : vector<1x1xi32>
    %sign3A_638 = arith.extui %sign3A_637 : vector<1x1xi1> to vector<1x1xi32>
    %sign3A_639 = arith.subi %sign3A_634, %sign3A_638 : vector<1x1xi32>
    %sign3A_640 = arith.constant 0 : i32
    %sign3A_641 = arith.cmpi sgt, %jit3A_628, %sign3A_640 : i32
    %sign3A_642 = arith.extui %sign3A_641 : i1 to i32
    %sign3A_643 = arith.constant 0 : i32
    %sign3A_644 = arith.cmpi slt, %jit3A_628, %sign3A_643 : i32
    %sign3A_645 = arith.extui %sign3A_644 : i1 to i32
    %sign3A_646 = arith.subi %sign3A_642, %sign3A_645 : i32
    %ne3A_647 = vector.broadcast %sign3A_646 : i32 to vector<1x1xi32>
    %ne3A_648 = arith.cmpi ne, %sign3A_639, %ne3A_647 : vector<1x1xi32>
    %rem3A_649 = vector.broadcast %jit3A_628 : i32 to vector<1x1xi32>
    %rem3A_650 = arith.remsi %slice3A_627, %rem3A_649 : vector<1x1xi32>
    %ne3A_651 = arith.constant 0 : i32
    %ne3A_652 = vector.broadcast %ne3A_651 : i32 to vector<1x1xi32>
    %ne3A_653 = arith.cmpi ne, %rem3A_650, %ne3A_652 : vector<1x1xi32>
    %and3A_654 = arith.andi %ne3A_648, %ne3A_653 : vector<1x1xi1>
    %sub3A_655 = arith.constant 1 : i32
    %sub3A_656 = vector.broadcast %sub3A_655 : i32 to vector<1x1xi32>
    %sub3A_657 = arith.subi %div3A_630, %sub3A_656 : vector<1x1xi32>
    %select_n3A_658 = arith.select %and3A_654, %sub3A_657, %div3A_630 : vector<1x1xi1>, vector<1x1xi32>
    %ge3A_659 = vector.broadcast %select_n3A_626 : vector<1x1xi32> to vector<128x1xi32>
    %ge3A_660 = arith.cmpi sge, %iota3A_71, %ge3A_659 : vector<128x1xi32>
    %add3A_661 = arith.addi %select_n3A_626, %select_n3A_658 : vector<1x1xi32>
    %lt3A_662 = vector.broadcast %add3A_661 : vector<1x1xi32> to vector<128x1xi32>
    %lt3A_663 = arith.cmpi slt, %iota3A_71, %lt3A_662 : vector<128x1xi32>
    %and3A_664 = arith.andi %ge3A_660, %lt3A_663 : vector<128x1xi1>
    %convert_element_type3A_665 = arith.extui %and3A_664 : vector<128x1xi1> to vector<128x1xi32>
    %mul3A_666 = arith.constant 5 : i32
    %mul3A_667 = vector.broadcast %mul3A_666 : i32 to vector<128x1xi32>
    %mul3A_668 = arith.muli %mul3A_667, %convert_element_type3A_665 : vector<128x1xi32>
    %add3A_669 = arith.addi %add3A_594, %mul3A_668 : vector<128x1xi32>
    %gt3A_670 = arith.constant 5 : i32
    %gt3A_671 = vector.broadcast %gt3A_670 : i32 to vector<1x8xi32>
    %gt3A_672 = arith.cmpi sgt, %iota3A_75, %gt3A_671 : vector<1x8xi32>
    %gt3A_673 = arith.constant 0 : i32
    %gt3A_674 = vector.broadcast %gt3A_673 : i32 to vector<1x8xi32>
    %gt3A_675 = arith.cmpi sgt, %mul3A_56, %gt3A_674 : vector<1x8xi32>
    %and3A_676 = arith.andi %gt3A_672, %gt3A_675 : vector<1x8xi1>
    %jit3A_677 = arith.constant 8 : i32
    %broadcast_in_dim3A_678 = vector.broadcast %jit3A_677 : i32 to vector<1x8xi32>
    %select_n3A_679 = arith.select %and3A_676, %iota3A_75, %broadcast_in_dim3A_678 : vector<1x8xi1>, vector<1x8xi32>
    %reduce_min3A_680 = arith.constant dense<2147483647> : vector<1xi32>
    %reduce_min3A_681 = vector.multi_reduction <minsi>, %select_n3A_679, %reduce_min3A_680 [1] : vector<1x8xi32> to vector<1xi32>
    %broadcast_in_dim3A_682 = vector.shape_cast %reduce_min3A_681 : vector<1xi32> to vector<1x1xi32>
    %eq3A_683 = arith.constant 8 : i32
    %eq3A_684 = vector.broadcast %eq3A_683 : i32 to vector<1x1xi32>
    %eq3A_685 = arith.cmpi eq, %broadcast_in_dim3A_682, %eq3A_684 : vector<1x1xi32>
    %jit3A_686 = arith.constant 5 : i32
    %broadcast_in_dim3A_687 = vector.broadcast %jit3A_686 : i32 to vector<1x1xi32>
    %select_n3A_688 = arith.select %eq3A_685, %broadcast_in_dim3A_687, %broadcast_in_dim3A_682 : vector<1x1xi1>, vector<1x1xi32>
    %ge3A_689 = vector.broadcast %select_n3A_626 : vector<1x1xi32> to vector<128x1xi32>
    %ge3A_690 = arith.cmpi sge, %sub3A_74, %ge3A_689 : vector<128x1xi32>
    %add3A_691 = arith.addi %select_n3A_626, %select_n3A_658 : vector<1x1xi32>
    %lt3A_692 = vector.broadcast %add3A_691 : vector<1x1xi32> to vector<128x1xi32>
    %lt3A_693 = arith.cmpi slt, %sub3A_74, %lt3A_692 : vector<128x1xi32>
    %and3A_694 = arith.andi %ge3A_690, %lt3A_693 : vector<128x1xi1>
    %convert_element_type3A_695 = arith.extui %and3A_694 : vector<128x1xi1> to vector<128x1xi32>
    %mul3A_696 = vector.broadcast %select_n3A_688 : vector<1x1xi32> to vector<128x1xi32>
    %mul3A_697 = arith.muli %mul3A_696, %convert_element_type3A_695 : vector<128x1xi32>
    %add3A_698 = arith.addi %add3A_669, %mul3A_697 : vector<128x1xi32>
    %slice3A_699 = vector.extract_strided_slice %convert_element_type3A_65 {offsets = [0, 6], sizes = [1, 1], strides = [1, 1]} : vector<1x8xi32> to vector<1x1xi32>
    %jit3A_700 = arith.constant 256 : i32
    %div3A_701 = vector.broadcast %jit3A_700 : i32 to vector<1x1xi32>
    %div3A_702 = arith.divsi %slice3A_699, %div3A_701 : vector<1x1xi32>
    %sign3A_703 = arith.constant 0 : i32
    %sign3A_704 = vector.broadcast %sign3A_703 : i32 to vector<1x1xi32>
    %sign3A_705 = arith.cmpi sgt, %slice3A_699, %sign3A_704 : vector<1x1xi32>
    %sign3A_706 = arith.extui %sign3A_705 : vector<1x1xi1> to vector<1x1xi32>
    %sign3A_707 = arith.constant 0 : i32
    %sign3A_708 = vector.broadcast %sign3A_707 : i32 to vector<1x1xi32>
    %sign3A_709 = arith.cmpi slt, %slice3A_699, %sign3A_708 : vector<1x1xi32>
    %sign3A_710 = arith.extui %sign3A_709 : vector<1x1xi1> to vector<1x1xi32>
    %sign3A_711 = arith.subi %sign3A_706, %sign3A_710 : vector<1x1xi32>
    %sign3A_712 = arith.constant 0 : i32
    %sign3A_713 = arith.cmpi sgt, %jit3A_700, %sign3A_712 : i32
    %sign3A_714 = arith.extui %sign3A_713 : i1 to i32
    %sign3A_715 = arith.constant 0 : i32
    %sign3A_716 = arith.cmpi slt, %jit3A_700, %sign3A_715 : i32
    %sign3A_717 = arith.extui %sign3A_716 : i1 to i32
    %sign3A_718 = arith.subi %sign3A_714, %sign3A_717 : i32
    %ne3A_719 = vector.broadcast %sign3A_718 : i32 to vector<1x1xi32>
    %ne3A_720 = arith.cmpi ne, %sign3A_711, %ne3A_719 : vector<1x1xi32>
    %rem3A_721 = vector.broadcast %jit3A_700 : i32 to vector<1x1xi32>
    %rem3A_722 = arith.remsi %slice3A_699, %rem3A_721 : vector<1x1xi32>
    %ne3A_723 = arith.constant 0 : i32
    %ne3A_724 = vector.broadcast %ne3A_723 : i32 to vector<1x1xi32>
    %ne3A_725 = arith.cmpi ne, %rem3A_722, %ne3A_724 : vector<1x1xi32>
    %and3A_726 = arith.andi %ne3A_720, %ne3A_725 : vector<1x1xi1>
    %sub3A_727 = arith.constant 1 : i32
    %sub3A_728 = vector.broadcast %sub3A_727 : i32 to vector<1x1xi32>
    %sub3A_729 = arith.subi %div3A_702, %sub3A_728 : vector<1x1xi32>
    %select_n3A_730 = arith.select %and3A_726, %sub3A_729, %div3A_702 : vector<1x1xi1>, vector<1x1xi32>
    %slice3A_731 = vector.extract_strided_slice %mul3A_56 {offsets = [0, 6], sizes = [1, 1], strides = [1, 1]} : vector<1x8xi32> to vector<1x1xi32>
    %jit3A_732 = arith.constant 256 : i32
    %div3A_733 = vector.broadcast %jit3A_732 : i32 to vector<1x1xi32>
    %div3A_734 = arith.divsi %slice3A_731, %div3A_733 : vector<1x1xi32>
    %sign3A_735 = arith.constant 0 : i32
    %sign3A_736 = vector.broadcast %sign3A_735 : i32 to vector<1x1xi32>
    %sign3A_737 = arith.cmpi sgt, %slice3A_731, %sign3A_736 : vector<1x1xi32>
    %sign3A_738 = arith.extui %sign3A_737 : vector<1x1xi1> to vector<1x1xi32>
    %sign3A_739 = arith.constant 0 : i32
    %sign3A_740 = vector.broadcast %sign3A_739 : i32 to vector<1x1xi32>
    %sign3A_741 = arith.cmpi slt, %slice3A_731, %sign3A_740 : vector<1x1xi32>
    %sign3A_742 = arith.extui %sign3A_741 : vector<1x1xi1> to vector<1x1xi32>
    %sign3A_743 = arith.subi %sign3A_738, %sign3A_742 : vector<1x1xi32>
    %sign3A_744 = arith.constant 0 : i32
    %sign3A_745 = arith.cmpi sgt, %jit3A_732, %sign3A_744 : i32
    %sign3A_746 = arith.extui %sign3A_745 : i1 to i32
    %sign3A_747 = arith.constant 0 : i32
    %sign3A_748 = arith.cmpi slt, %jit3A_732, %sign3A_747 : i32
    %sign3A_749 = arith.extui %sign3A_748 : i1 to i32
    %sign3A_750 = arith.subi %sign3A_746, %sign3A_749 : i32
    %ne3A_751 = vector.broadcast %sign3A_750 : i32 to vector<1x1xi32>
    %ne3A_752 = arith.cmpi ne, %sign3A_743, %ne3A_751 : vector<1x1xi32>
    %rem3A_753 = vector.broadcast %jit3A_732 : i32 to vector<1x1xi32>
    %rem3A_754 = arith.remsi %slice3A_731, %rem3A_753 : vector<1x1xi32>
    %ne3A_755 = arith.constant 0 : i32
    %ne3A_756 = vector.broadcast %ne3A_755 : i32 to vector<1x1xi32>
    %ne3A_757 = arith.cmpi ne, %rem3A_754, %ne3A_756 : vector<1x1xi32>
    %and3A_758 = arith.andi %ne3A_752, %ne3A_757 : vector<1x1xi1>
    %sub3A_759 = arith.constant 1 : i32
    %sub3A_760 = vector.broadcast %sub3A_759 : i32 to vector<1x1xi32>
    %sub3A_761 = arith.subi %div3A_734, %sub3A_760 : vector<1x1xi32>
    %select_n3A_762 = arith.select %and3A_758, %sub3A_761, %div3A_734 : vector<1x1xi1>, vector<1x1xi32>
    %ge3A_763 = vector.broadcast %select_n3A_730 : vector<1x1xi32> to vector<128x1xi32>
    %ge3A_764 = arith.cmpi sge, %iota3A_71, %ge3A_763 : vector<128x1xi32>
    %add3A_765 = arith.addi %select_n3A_730, %select_n3A_762 : vector<1x1xi32>
    %lt3A_766 = vector.broadcast %add3A_765 : vector<1x1xi32> to vector<128x1xi32>
    %lt3A_767 = arith.cmpi slt, %iota3A_71, %lt3A_766 : vector<128x1xi32>
    %and3A_768 = arith.andi %ge3A_764, %lt3A_767 : vector<128x1xi1>
    %convert_element_type3A_769 = arith.extui %and3A_768 : vector<128x1xi1> to vector<128x1xi32>
    %mul3A_770 = arith.constant 6 : i32
    %mul3A_771 = vector.broadcast %mul3A_770 : i32 to vector<128x1xi32>
    %mul3A_772 = arith.muli %mul3A_771, %convert_element_type3A_769 : vector<128x1xi32>
    %add3A_773 = arith.addi %add3A_698, %mul3A_772 : vector<128x1xi32>
    %gt3A_774 = arith.constant 6 : i32
    %gt3A_775 = vector.broadcast %gt3A_774 : i32 to vector<1x8xi32>
    %gt3A_776 = arith.cmpi sgt, %iota3A_75, %gt3A_775 : vector<1x8xi32>
    %gt3A_777 = arith.constant 0 : i32
    %gt3A_778 = vector.broadcast %gt3A_777 : i32 to vector<1x8xi32>
    %gt3A_779 = arith.cmpi sgt, %mul3A_56, %gt3A_778 : vector<1x8xi32>
    %and3A_780 = arith.andi %gt3A_776, %gt3A_779 : vector<1x8xi1>
    %jit3A_781 = arith.constant 8 : i32
    %broadcast_in_dim3A_782 = vector.broadcast %jit3A_781 : i32 to vector<1x8xi32>
    %select_n3A_783 = arith.select %and3A_780, %iota3A_75, %broadcast_in_dim3A_782 : vector<1x8xi1>, vector<1x8xi32>
    %reduce_min3A_784 = arith.constant dense<2147483647> : vector<1xi32>
    %reduce_min3A_785 = vector.multi_reduction <minsi>, %select_n3A_783, %reduce_min3A_784 [1] : vector<1x8xi32> to vector<1xi32>
    %broadcast_in_dim3A_786 = vector.shape_cast %reduce_min3A_785 : vector<1xi32> to vector<1x1xi32>
    %eq3A_787 = arith.constant 8 : i32
    %eq3A_788 = vector.broadcast %eq3A_787 : i32 to vector<1x1xi32>
    %eq3A_789 = arith.cmpi eq, %broadcast_in_dim3A_786, %eq3A_788 : vector<1x1xi32>
    %jit3A_790 = arith.constant 6 : i32
    %broadcast_in_dim3A_791 = vector.broadcast %jit3A_790 : i32 to vector<1x1xi32>
    %select_n3A_792 = arith.select %eq3A_789, %broadcast_in_dim3A_791, %broadcast_in_dim3A_786 : vector<1x1xi1>, vector<1x1xi32>
    %ge3A_793 = vector.broadcast %select_n3A_730 : vector<1x1xi32> to vector<128x1xi32>
    %ge3A_794 = arith.cmpi sge, %sub3A_74, %ge3A_793 : vector<128x1xi32>
    %add3A_795 = arith.addi %select_n3A_730, %select_n3A_762 : vector<1x1xi32>
    %lt3A_796 = vector.broadcast %add3A_795 : vector<1x1xi32> to vector<128x1xi32>
    %lt3A_797 = arith.cmpi slt, %sub3A_74, %lt3A_796 : vector<128x1xi32>
    %and3A_798 = arith.andi %ge3A_794, %lt3A_797 : vector<128x1xi1>
    %convert_element_type3A_799 = arith.extui %and3A_798 : vector<128x1xi1> to vector<128x1xi32>
    %mul3A_800 = vector.broadcast %select_n3A_792 : vector<1x1xi32> to vector<128x1xi32>
    %mul3A_801 = arith.muli %mul3A_800, %convert_element_type3A_799 : vector<128x1xi32>
    %add3A_802 = arith.addi %add3A_773, %mul3A_801 : vector<128x1xi32>
    %slice3A_803 = vector.extract_strided_slice %convert_element_type3A_65 {offsets = [0, 7], sizes = [1, 1], strides = [1, 1]} : vector<1x8xi32> to vector<1x1xi32>
    %jit3A_804 = arith.constant 256 : i32
    %div3A_805 = vector.broadcast %jit3A_804 : i32 to vector<1x1xi32>
    %div3A_806 = arith.divsi %slice3A_803, %div3A_805 : vector<1x1xi32>
    %sign3A_807 = arith.constant 0 : i32
    %sign3A_808 = vector.broadcast %sign3A_807 : i32 to vector<1x1xi32>
    %sign3A_809 = arith.cmpi sgt, %slice3A_803, %sign3A_808 : vector<1x1xi32>
    %sign3A_810 = arith.extui %sign3A_809 : vector<1x1xi1> to vector<1x1xi32>
    %sign3A_811 = arith.constant 0 : i32
    %sign3A_812 = vector.broadcast %sign3A_811 : i32 to vector<1x1xi32>
    %sign3A_813 = arith.cmpi slt, %slice3A_803, %sign3A_812 : vector<1x1xi32>
    %sign3A_814 = arith.extui %sign3A_813 : vector<1x1xi1> to vector<1x1xi32>
    %sign3A_815 = arith.subi %sign3A_810, %sign3A_814 : vector<1x1xi32>
    %sign3A_816 = arith.constant 0 : i32
    %sign3A_817 = arith.cmpi sgt, %jit3A_804, %sign3A_816 : i32
    %sign3A_818 = arith.extui %sign3A_817 : i1 to i32
    %sign3A_819 = arith.constant 0 : i32
    %sign3A_820 = arith.cmpi slt, %jit3A_804, %sign3A_819 : i32
    %sign3A_821 = arith.extui %sign3A_820 : i1 to i32
    %sign3A_822 = arith.subi %sign3A_818, %sign3A_821 : i32
    %ne3A_823 = vector.broadcast %sign3A_822 : i32 to vector<1x1xi32>
    %ne3A_824 = arith.cmpi ne, %sign3A_815, %ne3A_823 : vector<1x1xi32>
    %rem3A_825 = vector.broadcast %jit3A_804 : i32 to vector<1x1xi32>
    %rem3A_826 = arith.remsi %slice3A_803, %rem3A_825 : vector<1x1xi32>
    %ne3A_827 = arith.constant 0 : i32
    %ne3A_828 = vector.broadcast %ne3A_827 : i32 to vector<1x1xi32>
    %ne3A_829 = arith.cmpi ne, %rem3A_826, %ne3A_828 : vector<1x1xi32>
    %and3A_830 = arith.andi %ne3A_824, %ne3A_829 : vector<1x1xi1>
    %sub3A_831 = arith.constant 1 : i32
    %sub3A_832 = vector.broadcast %sub3A_831 : i32 to vector<1x1xi32>
    %sub3A_833 = arith.subi %div3A_806, %sub3A_832 : vector<1x1xi32>
    %select_n3A_834 = arith.select %and3A_830, %sub3A_833, %div3A_806 : vector<1x1xi1>, vector<1x1xi32>
    %slice3A_835 = vector.extract_strided_slice %mul3A_56 {offsets = [0, 7], sizes = [1, 1], strides = [1, 1]} : vector<1x8xi32> to vector<1x1xi32>
    %jit3A_836 = arith.constant 256 : i32
    %div3A_837 = vector.broadcast %jit3A_836 : i32 to vector<1x1xi32>
    %div3A_838 = arith.divsi %slice3A_835, %div3A_837 : vector<1x1xi32>
    %sign3A_839 = arith.constant 0 : i32
    %sign3A_840 = vector.broadcast %sign3A_839 : i32 to vector<1x1xi32>
    %sign3A_841 = arith.cmpi sgt, %slice3A_835, %sign3A_840 : vector<1x1xi32>
    %sign3A_842 = arith.extui %sign3A_841 : vector<1x1xi1> to vector<1x1xi32>
    %sign3A_843 = arith.constant 0 : i32
    %sign3A_844 = vector.broadcast %sign3A_843 : i32 to vector<1x1xi32>
    %sign3A_845 = arith.cmpi slt, %slice3A_835, %sign3A_844 : vector<1x1xi32>
    %sign3A_846 = arith.extui %sign3A_845 : vector<1x1xi1> to vector<1x1xi32>
    %sign3A_847 = arith.subi %sign3A_842, %sign3A_846 : vector<1x1xi32>
    %sign3A_848 = arith.constant 0 : i32
    %sign3A_849 = arith.cmpi sgt, %jit3A_836, %sign3A_848 : i32
    %sign3A_850 = arith.extui %sign3A_849 : i1 to i32
    %sign3A_851 = arith.constant 0 : i32
    %sign3A_852 = arith.cmpi slt, %jit3A_836, %sign3A_851 : i32
    %sign3A_853 = arith.extui %sign3A_852 : i1 to i32
    %sign3A_854 = arith.subi %sign3A_850, %sign3A_853 : i32
    %ne3A_855 = vector.broadcast %sign3A_854 : i32 to vector<1x1xi32>
    %ne3A_856 = arith.cmpi ne, %sign3A_847, %ne3A_855 : vector<1x1xi32>
    %rem3A_857 = vector.broadcast %jit3A_836 : i32 to vector<1x1xi32>
    %rem3A_858 = arith.remsi %slice3A_835, %rem3A_857 : vector<1x1xi32>
    %ne3A_859 = arith.constant 0 : i32
    %ne3A_860 = vector.broadcast %ne3A_859 : i32 to vector<1x1xi32>
    %ne3A_861 = arith.cmpi ne, %rem3A_858, %ne3A_860 : vector<1x1xi32>
    %and3A_862 = arith.andi %ne3A_856, %ne3A_861 : vector<1x1xi1>
    %sub3A_863 = arith.constant 1 : i32
    %sub3A_864 = vector.broadcast %sub3A_863 : i32 to vector<1x1xi32>
    %sub3A_865 = arith.subi %div3A_838, %sub3A_864 : vector<1x1xi32>
    %select_n3A_866 = arith.select %and3A_862, %sub3A_865, %div3A_838 : vector<1x1xi1>, vector<1x1xi32>
    %ge3A_867 = vector.broadcast %select_n3A_834 : vector<1x1xi32> to vector<128x1xi32>
    %ge3A_868 = arith.cmpi sge, %iota3A_71, %ge3A_867 : vector<128x1xi32>
    %add3A_869 = arith.addi %select_n3A_834, %select_n3A_866 : vector<1x1xi32>
    %lt3A_870 = vector.broadcast %add3A_869 : vector<1x1xi32> to vector<128x1xi32>
    %lt3A_871 = arith.cmpi slt, %iota3A_71, %lt3A_870 : vector<128x1xi32>
    %and3A_872 = arith.andi %ge3A_868, %lt3A_871 : vector<128x1xi1>
    %convert_element_type3A_873 = arith.extui %and3A_872 : vector<128x1xi1> to vector<128x1xi32>
    %mul3A_874 = arith.constant 7 : i32
    %mul3A_875 = vector.broadcast %mul3A_874 : i32 to vector<128x1xi32>
    %mul3A_876 = arith.muli %mul3A_875, %convert_element_type3A_873 : vector<128x1xi32>
    %add3A_877 = arith.addi %add3A_802, %mul3A_876 : vector<128x1xi32>
    %gt3A_878 = arith.constant 7 : i32
    %gt3A_879 = vector.broadcast %gt3A_878 : i32 to vector<1x8xi32>
    %gt3A_880 = arith.cmpi sgt, %iota3A_75, %gt3A_879 : vector<1x8xi32>
    %gt3A_881 = arith.constant 0 : i32
    %gt3A_882 = vector.broadcast %gt3A_881 : i32 to vector<1x8xi32>
    %gt3A_883 = arith.cmpi sgt, %mul3A_56, %gt3A_882 : vector<1x8xi32>
    %and3A_884 = arith.andi %gt3A_880, %gt3A_883 : vector<1x8xi1>
    %jit3A_885 = arith.constant 8 : i32
    %broadcast_in_dim3A_886 = vector.broadcast %jit3A_885 : i32 to vector<1x8xi32>
    %select_n3A_887 = arith.select %and3A_884, %iota3A_75, %broadcast_in_dim3A_886 : vector<1x8xi1>, vector<1x8xi32>
    %reduce_min3A_888 = arith.constant dense<2147483647> : vector<1xi32>
    %reduce_min3A_889 = vector.multi_reduction <minsi>, %select_n3A_887, %reduce_min3A_888 [1] : vector<1x8xi32> to vector<1xi32>
    %broadcast_in_dim3A_890 = vector.shape_cast %reduce_min3A_889 : vector<1xi32> to vector<1x1xi32>
    %eq3A_891 = arith.constant 8 : i32
    %eq3A_892 = vector.broadcast %eq3A_891 : i32 to vector<1x1xi32>
    %eq3A_893 = arith.cmpi eq, %broadcast_in_dim3A_890, %eq3A_892 : vector<1x1xi32>
    %jit3A_894 = arith.constant 7 : i32
    %broadcast_in_dim3A_895 = vector.broadcast %jit3A_894 : i32 to vector<1x1xi32>
    %select_n3A_896 = arith.select %eq3A_893, %broadcast_in_dim3A_895, %broadcast_in_dim3A_890 : vector<1x1xi1>, vector<1x1xi32>
    %ge3A_897 = vector.broadcast %select_n3A_834 : vector<1x1xi32> to vector<128x1xi32>
    %ge3A_898 = arith.cmpi sge, %sub3A_74, %ge3A_897 : vector<128x1xi32>
    %add3A_899 = arith.addi %select_n3A_834, %select_n3A_866 : vector<1x1xi32>
    %lt3A_900 = vector.broadcast %add3A_899 : vector<1x1xi32> to vector<128x1xi32>
    %lt3A_901 = arith.cmpi slt, %sub3A_74, %lt3A_900 : vector<128x1xi32>
    %and3A_902 = arith.andi %ge3A_898, %lt3A_901 : vector<128x1xi1>
    %convert_element_type3A_903 = arith.extui %and3A_902 : vector<128x1xi1> to vector<128x1xi32>
    %mul3A_904 = vector.broadcast %select_n3A_896 : vector<1x1xi32> to vector<128x1xi32>
    %mul3A_905 = arith.muli %mul3A_904, %convert_element_type3A_903 : vector<128x1xi32>
    %add3A_906 = arith.addi %add3A_877, %mul3A_905 : vector<128x1xi32>
    %reduce_sum3A = arith.constant dense<0> : vector<1xi32>
    %reduce_sum3A_907 = vector.multi_reduction <add>, %mul3A_56, %reduce_sum3A [1] : vector<1x8xi32> to vector<1xi32>
    %broadcast_in_dim3A_908 = vector.shape_cast %reduce_sum3A_907 : vector<1xi32> to vector<1x1xi32>
    %jit3A_909 = arith.constant 256 : i32
    %div3A_910 = vector.broadcast %jit3A_909 : i32 to vector<1x1xi32>
    %div3A_911 = arith.divsi %broadcast_in_dim3A_908, %div3A_910 : vector<1x1xi32>
    %sign3A_912 = arith.constant 0 : i32
    %sign3A_913 = vector.broadcast %sign3A_912 : i32 to vector<1x1xi32>
    %sign3A_914 = arith.cmpi sgt, %broadcast_in_dim3A_908, %sign3A_913 : vector<1x1xi32>
    %sign3A_915 = arith.extui %sign3A_914 : vector<1x1xi1> to vector<1x1xi32>
    %sign3A_916 = arith.constant 0 : i32
    %sign3A_917 = vector.broadcast %sign3A_916 : i32 to vector<1x1xi32>
    %sign3A_918 = arith.cmpi slt, %broadcast_in_dim3A_908, %sign3A_917 : vector<1x1xi32>
    %sign3A_919 = arith.extui %sign3A_918 : vector<1x1xi1> to vector<1x1xi32>
    %sign3A_920 = arith.subi %sign3A_915, %sign3A_919 : vector<1x1xi32>
    %sign3A_921 = arith.constant 0 : i32
    %sign3A_922 = arith.cmpi sgt, %jit3A_909, %sign3A_921 : i32
    %sign3A_923 = arith.extui %sign3A_922 : i1 to i32
    %sign3A_924 = arith.constant 0 : i32
    %sign3A_925 = arith.cmpi slt, %jit3A_909, %sign3A_924 : i32
    %sign3A_926 = arith.extui %sign3A_925 : i1 to i32
    %sign3A_927 = arith.subi %sign3A_923, %sign3A_926 : i32
    %ne3A_928 = vector.broadcast %sign3A_927 : i32 to vector<1x1xi32>
    %ne3A_929 = arith.cmpi ne, %sign3A_920, %ne3A_928 : vector<1x1xi32>
    %rem3A_930 = vector.broadcast %jit3A_909 : i32 to vector<1x1xi32>
    %rem3A_931 = arith.remsi %broadcast_in_dim3A_908, %rem3A_930 : vector<1x1xi32>
    %ne3A_932 = arith.constant 0 : i32
    %ne3A_933 = vector.broadcast %ne3A_932 : i32 to vector<1x1xi32>
    %ne3A_934 = arith.cmpi ne, %rem3A_931, %ne3A_933 : vector<1x1xi32>
    %and3A_935 = arith.andi %ne3A_929, %ne3A_934 : vector<1x1xi1>
    %sub3A_936 = arith.constant 1 : i32
    %sub3A_937 = vector.broadcast %sub3A_936 : i32 to vector<1x1xi32>
    %sub3A_938 = arith.subi %div3A_911, %sub3A_937 : vector<1x1xi32>
    %select_n3A_939 = arith.select %and3A_935, %sub3A_938, %div3A_911 : vector<1x1xi1>, vector<1x1xi32>
    %ge3A_940 = vector.broadcast %select_n3A_939 : vector<1x1xi32> to vector<128x1xi32>
    %ge3A_941 = arith.cmpi sge, %iota3A_71, %ge3A_940 : vector<128x1xi32>
    %lt3A_942 = arith.constant 24 : i32
    %lt3A_943 = vector.broadcast %lt3A_942 : i32 to vector<128x1xi32>
    %lt3A_944 = arith.cmpi slt, %iota3A_71, %lt3A_943 : vector<128x1xi32>
    %and3A_945 = arith.andi %ge3A_941, %lt3A_944 : vector<128x1xi1>
    %convert_element_type3A_946 = arith.extui %and3A_945 : vector<128x1xi1> to vector<128x1xi32>
    %mul3A_947 = arith.constant 7 : i32
    %mul3A_948 = vector.broadcast %mul3A_947 : i32 to vector<128x1xi32>
    %mul3A_949 = arith.muli %mul3A_948, %convert_element_type3A_946 : vector<128x1xi32>
    %add3A_950 = arith.addi %add3A_906, %mul3A_949 : vector<128x1xi32>
    %eq3A_951 = arith.constant 24 : i32
    %eq3A_952 = vector.broadcast %eq3A_951 : i32 to vector<128x1xi32>
    %eq3A_953 = arith.cmpi eq, %iota3A_71, %eq3A_952 : vector<128x1xi32>
    %convert_element_type3A_954 = arith.extui %eq3A_953 : vector<128x1xi1> to vector<128x1xi32>
    %mul3A_955 = vector.broadcast %select_n3A_939 : vector<1x1xi32> to vector<128x1xi32>
    %mul3A_956 = arith.muli %convert_element_type3A_954, %mul3A_955 : vector<128x1xi32>
    %add3A_957 = arith.addi %add3A_950, %mul3A_956 : vector<128x1xi32>
    %swap3A_958 = arith.constant 0 : index
    %swap3A_959 = arith.constant 0 : index
    %swap3A_960 = vector.load %arg3[%swap3A_958, %swap3A_959] : memref<128x1xi32, #tpu.memory_space<vmem>>, vector<128x1xi32>
    tpu.vector_store %arg3[%swap3A_958, %swap3A_959], %add3A_957 {strides = array<i32>} : memref<128x1xi32, #tpu.memory_space<vmem>>, vector<128x1xi32>,
    return
  }
}

module attributes {stable_mosaic.version = 14 : i64} {
  func.func @_ffn_body(%arg0: i32, %arg1: memref<128xi32, #tpu.memory_space<smem>>, %arg2: memref<256x768xf32, #tpu.memory_space<vmem>>, %arg3: memref<1x1x768xf32, #tpu.memory_space<vmem>>, %arg4: memref<1x1x768xf32, #tpu.memory_space<vmem>>, %arg5: memref<1x1x768xf32, #tpu.memory_space<vmem>>, %arg6: memref<8x3072x768xf32, #tpu.memory_space<hbm>>, %arg7: memref<1x1x3072xf32, #tpu.memory_space<vmem>>, %arg8: memref<8x768x3072xf32, #tpu.memory_space<hbm>>, %arg9: memref<1x1x768xf32, #tpu.memory_space<vmem>>, %arg10: memref<256x768xf32, #tpu.memory_space<vmem>>, %arg11: memref<3072x768xf32, #tpu.memory_space<vmem>>, %arg12: memref<768x3072xf32, #tpu.memory_space<vmem>>, %arg13: memref<3072x768xbf16, #tpu.memory_space<vmem>>, %arg14: memref<768x3072xbf16, #tpu.memory_space<vmem>>, %arg15: memref<!tpu.dma_semaphore, #tpu.memory_space<semaphore_mem>>) attributes {dimension_semantics = [#tpu.dimension_semantics<arbitrary>], iteration_bounds = array<i64: 24>, scalar_prefetch = 1 : i64, scratch_operands = 5 : i64, tpu.core_type = #tpu.core_type<tc>, window_params = [{transform_indices = @transform_0, window_bounds = array<i64: 256, 768>}, {transform_indices = @transform_1, window_bounds = array<i64: 1, 1, 768>}, {transform_indices = @transform_2, window_bounds = array<i64: 1, 1, 768>}, {transform_indices = @transform_3, window_bounds = array<i64: 1, 1, 768>}, {}, {transform_indices = @transform_5, window_bounds = array<i64: 1, 1, 3072>}, {}, {transform_indices = @transform_7, window_bounds = array<i64: 1, 1, 768>}, {transform_indices = @transform_8, window_bounds = array<i64: 256, 768>}]} {
    %get3A = arith.constant 24 : index
    %get3A_0 = memref.load %arg1[%get3A] : memref<128xi32, #tpu.memory_space<smem>>
    %get3A_1 = arith.index_cast %arg0 : i32 to index
    %get3A_2 = memref.load %arg1[%get3A_1] : memref<128xi32, #tpu.memory_space<smem>>
    %sub3A = arith.constant 1 : i32
    %sub3A_3 = arith.subi %arg0, %sub3A : i32
    %max3A = arith.constant 0 : i32
    %max3A_4 = arith.maxsi %sub3A_3, %max3A : i32
    %get3A_5 = arith.index_cast %max3A_4 : i32 to index
    %get3A_6 = memref.load %arg1[%get3A_5] : memref<128xi32, #tpu.memory_space<smem>>
    %eq3A = arith.constant 0 : i32
    %eq3A_7 = arith.cmpi eq, %arg0, %eq3A : i32
    %ne3A = arith.cmpi ne, %get3A_2, %get3A_6 : i32
    %or3A = arith.ori %eq3A_7, %ne3A : i1
    %eq3A_8 = arith.constant 0 : i32
    %eq3A_9 = arith.cmpi eq, %arg0, %eq3A_8 : i32
    %convert_element_type3A = arith.extui %eq3A_9 : i1 to i32
    %cond3A = arith.constant 0 : i32
    %cond3A_10 = arith.cmpi ne, %convert_element_type3A, %cond3A : i32
    scf.if %cond3A_10 {
      %dma_start3A = arith.constant 0 : i32
      %dma_start3A_18 = arith.constant 0 : i32
      %dma_start3A_19 = tpu.memref_slice %arg6[%get3A_2, %dma_start3A, %dma_start3A_18] : memref<8x3072x768xf32, #tpu.memory_space<hbm>> -> memref<1x3072x768xf32, #tpu.memory_space<hbm>>
      %dma_start3A_20 = tpu.memref_squeeze %dma_start3A_19 : memref<1x3072x768xf32, #tpu.memory_space<hbm>> -> memref<3072x768xf32, #tpu.memory_space<hbm>>
      tpu.enqueue_dma source(%dma_start3A_20 : memref<3072x768xf32, #tpu.memory_space<hbm>>) target(%arg11 : memref<3072x768xf32, #tpu.memory_space<vmem>>) target_semaphore(%arg15 : memref<!tpu.dma_semaphore, #tpu.memory_space<semaphore_mem>>)
      %dma_start3A_21 = arith.constant 0 : i32
      %dma_start3A_22 = arith.constant 0 : i32
      %dma_start3A_23 = tpu.memref_slice %arg8[%get3A_2, %dma_start3A_21, %dma_start3A_22] : memref<8x768x3072xf32, #tpu.memory_space<hbm>> -> memref<1x768x3072xf32, #tpu.memory_space<hbm>>
      %dma_start3A_24 = tpu.memref_squeeze %dma_start3A_23 : memref<1x768x3072xf32, #tpu.memory_space<hbm>> -> memref<768x3072xf32, #tpu.memory_space<hbm>>
      tpu.enqueue_dma source(%dma_start3A_24 : memref<768x3072xf32, #tpu.memory_space<hbm>>) target(%arg12 : memref<768x3072xf32, #tpu.memory_space<vmem>>) target_semaphore(%arg15 : memref<!tpu.dma_semaphore, #tpu.memory_space<semaphore_mem>>)
    } else {
    }
    %lt3A = arith.cmpi slt, %arg0, %get3A_0 : i32
    %and3A = arith.andi %lt3A, %or3A : i1
    %convert_element_type3A_11 = arith.extui %and3A : i1 to i32
    %cond3A_12 = arith.constant 0 : i32
    %cond3A_13 = arith.cmpi ne, %convert_element_type3A_11, %cond3A_12 : i32
    scf.if %cond3A_13 {
      %dma_wait3A = arith.constant 0 : i32
      %dma_wait3A_18 = arith.constant 0 : i32
      %dma_wait3A_19 = tpu.memref_slice %arg6[%get3A_2, %dma_wait3A, %dma_wait3A_18] : memref<8x3072x768xf32, #tpu.memory_space<hbm>> -> memref<1x3072x768xf32, #tpu.memory_space<hbm>>
      %dma_wait3A_20 = tpu.memref_squeeze %dma_wait3A_19 : memref<1x3072x768xf32, #tpu.memory_space<hbm>> -> memref<3072x768xf32, #tpu.memory_space<hbm>>
      tpu.wait_dma2 semaphore(%arg15 : memref<!tpu.dma_semaphore, #tpu.memory_space<semaphore_mem>>) src(%dma_wait3A_20 : memref<3072x768xf32, #tpu.memory_space<hbm>>) dst(%arg11 : memref<3072x768xf32, #tpu.memory_space<vmem>>)
      %dma_wait3A_21 = arith.constant 0 : i32
      %dma_wait3A_22 = arith.constant 0 : i32
      %dma_wait3A_23 = tpu.memref_slice %arg8[%get3A_2, %dma_wait3A_21, %dma_wait3A_22] : memref<8x768x3072xf32, #tpu.memory_space<hbm>> -> memref<1x768x3072xf32, #tpu.memory_space<hbm>>
      %dma_wait3A_24 = tpu.memref_squeeze %dma_wait3A_23 : memref<1x768x3072xf32, #tpu.memory_space<hbm>> -> memref<768x3072xf32, #tpu.memory_space<hbm>>
      tpu.wait_dma2 semaphore(%arg15 : memref<!tpu.dma_semaphore, #tpu.memory_space<semaphore_mem>>) src(%dma_wait3A_24 : memref<768x3072xf32, #tpu.memory_space<hbm>>) dst(%arg12 : memref<768x3072xf32, #tpu.memory_space<vmem>>)
      %get3A_25 = arith.constant 0 : index
      %get3A_26 = arith.constant 0 : index
      %get3A_27 = vector.load %arg11[%get3A_25, %get3A_26] : memref<3072x768xf32, #tpu.memory_space<vmem>>, vector<3072x768xf32>
      %convert_element_type3A_28 = arith.truncf %get3A_27 : vector<3072x768xf32> to vector<3072x768xbf16>
      %swap3A = arith.constant 0 : index
      %swap3A_29 = arith.constant 0 : index
      %swap3A_30 = vector.load %arg13[%swap3A, %swap3A_29] : memref<3072x768xbf16, #tpu.memory_space<vmem>>, vector<3072x768xbf16>
      tpu.vector_store %arg13[%swap3A, %swap3A_29], %convert_element_type3A_28 {strides = array<i32>} : memref<3072x768xbf16, #tpu.memory_space<vmem>>, vector<3072x768xbf16>,
      %get3A_31 = arith.constant 0 : index
      %get3A_32 = arith.constant 0 : index
      %get3A_33 = vector.load %arg12[%get3A_31, %get3A_32] : memref<768x3072xf32, #tpu.memory_space<vmem>>, vector<768x3072xf32>
      %convert_element_type3A_34 = arith.truncf %get3A_33 : vector<768x3072xf32> to vector<768x3072xbf16>
      %swap3A_35 = arith.constant 0 : index
      %swap3A_36 = arith.constant 0 : index
      %swap3A_37 = vector.load %arg14[%swap3A_35, %swap3A_36] : memref<768x3072xbf16, #tpu.memory_space<vmem>>, vector<768x3072xbf16>
      tpu.vector_store %arg14[%swap3A_35, %swap3A_36], %convert_element_type3A_34 {strides = array<i32>} : memref<768x3072xbf16, #tpu.memory_space<vmem>>, vector<768x3072xbf16>,
      %add3A = arith.constant 64 : i32
      %add3A_38 = arith.addi %add3A, %arg0 : i32
      %get3A_39 = arith.index_cast %add3A_38 : i32 to index
      %get3A_40 = memref.load %arg1[%get3A_39] : memref<128xi32, #tpu.memory_space<smem>>
      %ne3A_41 = arith.cmpi ne, %get3A_40, %get3A_2 : i32
      %convert_element_type3A_42 = arith.extui %ne3A_41 : i1 to i32
      %cond3A_43 = arith.constant 0 : i32
      %cond3A_44 = arith.cmpi ne, %convert_element_type3A_42, %cond3A_43 : i32
      scf.if %cond3A_44 {
        %dma_start3A = arith.constant 0 : i32
        %dma_start3A_45 = arith.constant 0 : i32
        %dma_start3A_46 = tpu.memref_slice %arg6[%get3A_40, %dma_start3A, %dma_start3A_45] : memref<8x3072x768xf32, #tpu.memory_space<hbm>> -> memref<1x3072x768xf32, #tpu.memory_space<hbm>>
        %dma_start3A_47 = tpu.memref_squeeze %dma_start3A_46 : memref<1x3072x768xf32, #tpu.memory_space<hbm>> -> memref<3072x768xf32, #tpu.memory_space<hbm>>
        tpu.enqueue_dma source(%dma_start3A_47 : memref<3072x768xf32, #tpu.memory_space<hbm>>) target(%arg11 : memref<3072x768xf32, #tpu.memory_space<vmem>>) target_semaphore(%arg15 : memref<!tpu.dma_semaphore, #tpu.memory_space<semaphore_mem>>)
        %dma_start3A_48 = arith.constant 0 : i32
        %dma_start3A_49 = arith.constant 0 : i32
        %dma_start3A_50 = tpu.memref_slice %arg8[%get3A_40, %dma_start3A_48, %dma_start3A_49] : memref<8x768x3072xf32, #tpu.memory_space<hbm>> -> memref<1x768x3072xf32, #tpu.memory_space<hbm>>
        %dma_start3A_51 = tpu.memref_squeeze %dma_start3A_50 : memref<1x768x3072xf32, #tpu.memory_space<hbm>> -> memref<768x3072xf32, #tpu.memory_space<hbm>>
        tpu.enqueue_dma source(%dma_start3A_51 : memref<768x3072xf32, #tpu.memory_space<hbm>>) target(%arg12 : memref<768x3072xf32, #tpu.memory_space<vmem>>) target_semaphore(%arg15 : memref<!tpu.dma_semaphore, #tpu.memory_space<semaphore_mem>>)
      } else {
      }
    } else {
    }
    %lt3A_14 = arith.cmpi slt, %arg0, %get3A_0 : i32
    %convert_element_type3A_15 = arith.extui %lt3A_14 : i1 to i32
    %cond3A_16 = arith.constant 0 : i32
    %cond3A_17 = arith.cmpi ne, %convert_element_type3A_15, %cond3A_16 : i32
    scf.if %cond3A_17 {
      %get3A_18 = arith.constant 0 : index
      %get3A_19 = arith.constant 0 : index
      %get3A_20 = vector.load %arg2[%get3A_18, %get3A_19] : memref<256x768xf32, #tpu.memory_space<vmem>>, vector<256x768xf32>
      %get3A_21 = arith.constant 0 : index
      %get3A_22 = arith.constant 0 : index
      %get3A_23 = arith.constant 0 : index
      %get3A_24 = vector.load %arg3[%get3A_21, %get3A_22, %get3A_23] : memref<1x1x768xf32, #tpu.memory_space<vmem>>, vector<1x1x768xf32>
      %get3A_25 = vector.shape_cast %get3A_24 : vector<1x1x768xf32> to vector<1x768xf32>
      %mul3A = vector.broadcast %get3A_25 : vector<1x768xf32> to vector<256x768xf32>
      %mul3A_26 = arith.mulf %get3A_20, %mul3A : vector<256x768xf32>
      %reduce_sum3A = arith.constant dense<0.000000e+00> : vector<256xf32>
      %reduce_sum3A_27 = vector.multi_reduction <add>, %mul3A_26, %reduce_sum3A [1] : vector<256x768xf32> to vector<256xf32>
      %broadcast_in_dim3A = vector.shape_cast %reduce_sum3A_27 : vector<256xf32> to vector<256x1xf32>
      %neg3A = arith.constant 0.000000e+00 : f32
      %neg3A_28 = vector.broadcast %neg3A : f32 to vector<256x1xf32>
      %neg3A_29 = arith.subf %neg3A_28, %broadcast_in_dim3A : vector<256x1xf32>
      %exp3A = math.exp %neg3A_29 : vector<256x1xf32>
      %add3A = arith.constant 1.000000e+00 : f32
      %add3A_30 = vector.broadcast %add3A : f32 to vector<256x1xf32>
      %add3A_31 = arith.addf %add3A_30, %exp3A : vector<256x1xf32>
      %div3A = arith.constant 1.000000e+00 : f32
      %div3A_32 = vector.broadcast %div3A : f32 to vector<256x1xf32>
      %div3A_33 = arith.divf %div3A_32, %add3A_31 : vector<256x1xf32>
      %reduce_sum3A_34 = arith.constant dense<0.000000e+00> : vector<256xf32>
      %reduce_sum3A_35 = vector.multi_reduction <add>, %get3A_20, %reduce_sum3A_34 [1] : vector<256x768xf32> to vector<256xf32>
      %broadcast_in_dim3A_36 = vector.shape_cast %reduce_sum3A_35 : vector<256xf32> to vector<256x1xf32>
      %div3A_37 = arith.constant 7.680000e+02 : f32
      %div3A_38 = vector.broadcast %div3A_37 : f32 to vector<256x1xf32>
      %div3A_39 = arith.divf %broadcast_in_dim3A_36, %div3A_38 : vector<256x1xf32>
      %mul3A_40 = arith.mulf %get3A_20, %get3A_20 : vector<256x768xf32>
      %reduce_sum3A_41 = arith.constant dense<0.000000e+00> : vector<256xf32>
      %reduce_sum3A_42 = vector.multi_reduction <add>, %mul3A_40, %reduce_sum3A_41 [1] : vector<256x768xf32> to vector<256xf32>
      %broadcast_in_dim3A_43 = vector.shape_cast %reduce_sum3A_42 : vector<256xf32> to vector<256x1xf32>
      %div3A_44 = arith.constant 7.680000e+02 : f32
      %div3A_45 = vector.broadcast %div3A_44 : f32 to vector<256x1xf32>
      %div3A_46 = arith.divf %broadcast_in_dim3A_43, %div3A_45 : vector<256x1xf32>
      %mul3A_47 = arith.mulf %div3A_39, %div3A_39 : vector<256x1xf32>
      %sub3A_48 = arith.subf %div3A_46, %mul3A_47 : vector<256x1xf32>
      %sub3A_49 = vector.broadcast %div3A_39 : vector<256x1xf32> to vector<256x768xf32>
      %sub3A_50 = arith.subf %get3A_20, %sub3A_49 : vector<256x768xf32>
      %add3A_51 = arith.constant 9.99999974E-6 : f32
      %add3A_52 = vector.broadcast %add3A_51 : f32 to vector<256x1xf32>
      %add3A_53 = arith.addf %sub3A_48, %add3A_52 : vector<256x1xf32>
      %sqrt3A = math.sqrt %add3A_53 : vector<256x1xf32>
      %div3A_54 = vector.broadcast %sqrt3A : vector<256x1xf32> to vector<256x768xf32>
      %div3A_55 = arith.divf %sub3A_50, %div3A_54 : vector<256x768xf32>
      %get3A_56 = arith.constant 0 : index
      %get3A_57 = arith.constant 0 : index
      %get3A_58 = arith.constant 0 : index
      %get3A_59 = vector.load %arg4[%get3A_56, %get3A_57, %get3A_58] : memref<1x1x768xf32, #tpu.memory_space<vmem>>, vector<1x1x768xf32>
      %get3A_60 = vector.shape_cast %get3A_59 : vector<1x1x768xf32> to vector<1x768xf32>
      %mul3A_61 = vector.broadcast %get3A_60 : vector<1x768xf32> to vector<256x768xf32>
      %mul3A_62 = arith.mulf %div3A_55, %mul3A_61 : vector<256x768xf32>
      %get3A_63 = arith.constant 0 : index
      %get3A_64 = arith.constant 0 : index
      %get3A_65 = arith.constant 0 : index
      %get3A_66 = vector.load %arg5[%get3A_63, %get3A_64, %get3A_65] : memref<1x1x768xf32, #tpu.memory_space<vmem>>, vector<1x1x768xf32>
      %get3A_67 = vector.shape_cast %get3A_66 : vector<1x1x768xf32> to vector<1x768xf32>
      %add3A_68 = vector.broadcast %get3A_67 : vector<1x768xf32> to vector<256x768xf32>
      %add3A_69 = arith.addf %mul3A_62, %add3A_68 : vector<256x768xf32>
      %convert_element_type3A_70 = arith.truncf %add3A_69 : vector<256x768xf32> to vector<256x768xbf16>
      %get3A_71 = arith.constant 0 : index
      %get3A_72 = arith.constant 0 : index
      %get3A_73 = vector.load %arg13[%get3A_71, %get3A_72] : memref<3072x768xbf16, #tpu.memory_space<vmem>>, vector<3072x768xbf16>
      %dot_general3A = arith.constant dense<0.000000e+00> : vector<256x3072xf32>
      %dot_general3A_74 = tpu.matmul %convert_element_type3A_70, %get3A_73, %dot_general3A {dimension_numbers = #tpu.dot_dimension_numbers<[1], [1], [0], [0], [0, 0, 1, 0], [], []>, transpose_lhs_hint = false} : vector<256x768xbf16>, vector<3072x768xbf16>, vector<256x3072xf32> -> vector<256x3072xf32>
      %get3A_75 = arith.constant 0 : index
      %get3A_76 = arith.constant 0 : index
      %get3A_77 = arith.constant 0 : index
      %get3A_78 = vector.load %arg7[%get3A_75, %get3A_76, %get3A_77] : memref<1x1x3072xf32, #tpu.memory_space<vmem>>, vector<1x1x3072xf32>
      %get3A_79 = vector.shape_cast %get3A_78 : vector<1x1x3072xf32> to vector<1x3072xf32>
      %add3A_80 = vector.broadcast %get3A_79 : vector<1x3072xf32> to vector<256x3072xf32>
      %add3A_81 = arith.addf %dot_general3A_74, %add3A_80 : vector<256x3072xf32>
      %max3A_82 = arith.constant 0.000000e+00 : f32
      %max3A_83 = vector.broadcast %max3A_82 : f32 to vector<256x3072xf32>
      %max3A_84 = arith.maximumf %add3A_81, %max3A_83 : vector<256x3072xf32>
      %convert_element_type3A_85 = arith.truncf %max3A_84 : vector<256x3072xf32> to vector<256x3072xbf16>
      %get3A_86 = arith.constant 0 : index
      %get3A_87 = arith.constant 0 : index
      %get3A_88 = vector.load %arg14[%get3A_86, %get3A_87] : memref<768x3072xbf16, #tpu.memory_space<vmem>>, vector<768x3072xbf16>
      %dot_general3A_89 = arith.constant dense<0.000000e+00> : vector<256x768xf32>
      %dot_general3A_90 = tpu.matmul %convert_element_type3A_85, %get3A_88, %dot_general3A_89 {dimension_numbers = #tpu.dot_dimension_numbers<[1], [1], [0], [0], [0, 0, 1, 0], [], []>, transpose_lhs_hint = false} : vector<256x3072xbf16>, vector<768x3072xbf16>, vector<256x768xf32> -> vector<256x768xf32>
      %get3A_91 = arith.constant 0 : index
      %get3A_92 = arith.constant 0 : index
      %get3A_93 = arith.constant 0 : index
      %get3A_94 = vector.load %arg9[%get3A_91, %get3A_92, %get3A_93] : memref<1x1x768xf32, #tpu.memory_space<vmem>>, vector<1x1x768xf32>
      %get3A_95 = vector.shape_cast %get3A_94 : vector<1x1x768xf32> to vector<1x768xf32>
      %add3A_96 = vector.broadcast %get3A_95 : vector<1x768xf32> to vector<256x768xf32>
      %add3A_97 = arith.addf %dot_general3A_90, %add3A_96 : vector<256x768xf32>
      %mul3A_98 = vector.broadcast %div3A_33 : vector<256x1xf32> to vector<256x768xf32>
      %mul3A_99 = arith.mulf %mul3A_98, %add3A_97 : vector<256x768xf32>
      %add3A_100 = arith.addf %get3A_20, %mul3A_99 : vector<256x768xf32>
      %swap3A = arith.constant 0 : index
      %swap3A_101 = arith.constant 0 : index
      %swap3A_102 = vector.load %arg10[%swap3A, %swap3A_101] : memref<256x768xf32, #tpu.memory_space<vmem>>, vector<256x768xf32>
      tpu.vector_store %arg10[%swap3A, %swap3A_101], %add3A_100 {strides = array<i32>} : memref<256x768xf32, #tpu.memory_space<vmem>>, vector<256x768xf32>,
    } else {
    }
    return
  }
  func.func @transform_0(%arg0: i32, %arg1: memref<128xi32, #tpu.memory_space<smem>>) -> (i32, i32) {
    %get3A = arith.constant 24 : index
    %get3A_0 = memref.load %arg1[%get3A] : memref<128xi32, #tpu.memory_space<smem>>
    %sub3A = arith.constant 1 : i32
    %sub3A_1 = arith.subi %get3A_0, %sub3A : i32
    %min3A = arith.minsi %arg0, %sub3A_1 : i32
    %c0_i32 = arith.constant 0 : i32
    %c0_i32_2 = arith.constant 0 : i32
    return %min3A, %c0_i32 : i32, i32
  }
  func.func @transform_1(%arg0: i32, %arg1: memref<128xi32, #tpu.memory_space<smem>>) -> (i32, i32, i32) {
    %get3A = arith.index_cast %arg0 : i32 to index
    %get3A_0 = memref.load %arg1[%get3A] : memref<128xi32, #tpu.memory_space<smem>>
    %c0_i32 = arith.constant 0 : i32
    %c0_i32_1 = arith.constant 0 : i32
    %c0_i32_2 = arith.constant 0 : i32
    return %get3A_0, %c0_i32, %c0_i32_1 : i32, i32, i32
  }
  func.func @transform_2(%arg0: i32, %arg1: memref<128xi32, #tpu.memory_space<smem>>) -> (i32, i32, i32) {
    %get3A = arith.index_cast %arg0 : i32 to index
    %get3A_0 = memref.load %arg1[%get3A] : memref<128xi32, #tpu.memory_space<smem>>
    %c0_i32 = arith.constant 0 : i32
    %c0_i32_1 = arith.constant 0 : i32
    %c0_i32_2 = arith.constant 0 : i32
    return %get3A_0, %c0_i32, %c0_i32_1 : i32, i32, i32
  }
  func.func @transform_3(%arg0: i32, %arg1: memref<128xi32, #tpu.memory_space<smem>>) -> (i32, i32, i32) {
    %get3A = arith.index_cast %arg0 : i32 to index
    %get3A_0 = memref.load %arg1[%get3A] : memref<128xi32, #tpu.memory_space<smem>>
    %c0_i32 = arith.constant 0 : i32
    %c0_i32_1 = arith.constant 0 : i32
    %c0_i32_2 = arith.constant 0 : i32
    return %get3A_0, %c0_i32, %c0_i32_1 : i32, i32, i32
  }
  func.func @transform_5(%arg0: i32, %arg1: memref<128xi32, #tpu.memory_space<smem>>) -> (i32, i32, i32) {
    %get3A = arith.index_cast %arg0 : i32 to index
    %get3A_0 = memref.load %arg1[%get3A] : memref<128xi32, #tpu.memory_space<smem>>
    %c0_i32 = arith.constant 0 : i32
    %c0_i32_1 = arith.constant 0 : i32
    %c0_i32_2 = arith.constant 0 : i32
    return %get3A_0, %c0_i32, %c0_i32_1 : i32, i32, i32
  }
  func.func @transform_7(%arg0: i32, %arg1: memref<128xi32, #tpu.memory_space<smem>>) -> (i32, i32, i32) {
    %get3A = arith.index_cast %arg0 : i32 to index
    %get3A_0 = memref.load %arg1[%get3A] : memref<128xi32, #tpu.memory_space<smem>>
    %c0_i32 = arith.constant 0 : i32
    %c0_i32_1 = arith.constant 0 : i32
    %c0_i32_2 = arith.constant 0 : i32
    return %get3A_0, %c0_i32, %c0_i32_1 : i32, i32, i32
  }
  func.func @transform_8(%arg0: i32, %arg1: memref<128xi32, #tpu.memory_space<smem>>) -> (i32, i32) {
    %get3A = arith.constant 24 : index
    %get3A_0 = memref.load %arg1[%get3A] : memref<128xi32, #tpu.memory_space<smem>>
    %sub3A = arith.constant 1 : i32
    %sub3A_1 = arith.subi %get3A_0, %sub3A : i32
    %min3A = arith.minsi %arg0, %sub3A_1 : i32
    %c0_i32 = arith.constant 0 : i32
    %c0_i32_2 = arith.constant 0 : i32
    return %min3A, %c0_i32 : i32, i32
  }
}

</mosaic_0001>

<sc_bundles>
// kernel: kernel.6.cloned.1.call-start
scs
__scs_entry_jumppad:
0x0: {  	(pc) =	sbr.rel $0x88, $3  }
0x1: {  	(tag) =	ssettag $0x0;
	lr =	simm.s32 $0x1  }
0x2: {  	[smem:$0x3F99] =	sst lr;
	_ =	strace $0xD0000000  }
0x3: {  	_ = 	snop  }
0x4: {  	_ = 	snop  }
0x5: {  	_ = 	snop  }
0x6: {  	_ = 	snop  }
0x7: {  	_ = 	snop  }
__scs_overlays_trampoline_lowered:
0x8: {  	[smem:$0x3FA8] =	sst s0  }
0x9: {  	[smem:$0x3FA9] =	sst s1  }
0xa: {  	[smem:$0x3FAA] =	sst s2  }
0xb: {  	[smem:$0x3FAB] =	sst s3  }
0xc: {  	[smem:$0x3FAC] =	sst s4  }
0xd: {  	[smem:$0x3FAD] =	sst s5  }
0xe: {  	[smem:$0x3FAE] =	sst s6  }
0xf: {  	[smem:$0x3FAF] =	sst s7  }
0x10: {  	[smem:$0x3FB0] =	sst s8  }
0x11: {  	[smem:$0x3FB1] =	sst s9;
	s0 =	simm.s32 @!p0 $0x0  }
0x12: {  	s1 =	sld [smem:$0x3F97];
	s0 =	simm.s32 @p0 $0x1  }
0x13: {  	[smem:$0x3FB2] =	sst s0;
	s0 =	simm.s32 @!p1 $0x0  }
0x14: {  	s2 =	sld [smem:$0x3F96];
	s0 =	simm.s32 @p1 $0x1  }
0x15: {  	[smem:$0x3FB3] =	sst s0;
	s0 =	simm.s32 @!p2 $0x0  }
0x16: {  	s3 =	sld [smem:$0x3FDB];
	s0 =	simm.s32 @p2 $0x1  }
0x17: {  	s4 =	simm.s32 $0x1BF5;
	[smem:$0x3FB5] =	sst s0  }
0x18: {  	s0 =	sld [smem:$0x3F98];
	_ =	swait.ge [sflag:s4], $0x0  }
0x19: {  	s7 =	sld [smem:$0x3F99]  }
0x1a: {  	s8 =	sadd.s32 $0xFFFFE003, lr  }
0x1b: {  	s9 =	sadd.s32 $0xFFFFFEF7, lr;
	s5 =	simm.s32 $0xFFFFFFFF;
	p2 =	slt.u32 s8, $0xFFFFF086  }
0x1c: {  	p1 =	slt.u32 s9, $0xF7A;
	s5 =	simm.s32 @!p2 $0x0  }
0x1d: {  	s5 =	simm.s32 @p1 $0x1;
	p0 =	seq.s32 s7, s2  }
0x1e: {  	s7 =	smul.u32 @!p0 $0xF7A, s2;
	p2 =	seq.s32 @!p0 s5, $0x0  }
0x1f: {  	s9 =	smul.u32 $0xF7A, s1;
	s8 =	simm.s32 @!p0 $0x1BF5;
	p2 =	por !p2, p0  }
0x20: {  	[sflag:s8] =	ssyncset.s32 @!p0 $0xFFFFF086;
	s6 =	sadd.s32 @!p0 s3, s7;
	s7 =	simm.s32 @!p0 $0x108  }
0x21: {  	s3 =	sadd.s32 s3, s9;
	s6 =	sadd.s32 @!p0 $0x88, s6;
	s7 =	simm.s32 @p2 $0x1082  }
0x22: {  	[simem:s7], [sflag:s8] =	dma.local @!p0 [hbm:s6], $0xF7A  }
0x23: {  	s9 =	sor.u32 $0xD0000000, s2;
	s6 =	simm.s32 $0x108;
	_ =	swait.ge @!p0 [sflag:s8], $0x0  }
0x24: {  	s3 =	sadd.s32 $0x88, s3;
	s6 =	simm.s32 @!p1 $0x1082;
	[sflag:s4] =	ssyncset.s32 $0xFFFFF086  }
0x25: {  	[simem:s6], [sflag:s4] =	dma.local [hbm:s3], $0xF7A  }
0x26: {  	[smem:$0x3F99] =	sst s1;
	(tag) =	ssettag s2;
	_ =	strace s9  }
0x27: {  	s1 =	sld [smem:$0x3FA9]  }
0x28: {  	s2 =	sld [smem:$0x3FAA]  }
0x29: {  	s4 =	sld [smem:$0x3FAC]  }
0x2a: {  	p0 =	seq.s32 s5, $0x0;
	s5 =	sld [smem:$0x3FAD]  }
0x2b: {  	s6 =	sld [smem:$0x3FAE]  }
0x2c: {  	s7 =	sld [smem:$0x3FAF]  }
0x2d: {  	s3 =	simm.s32 $0x108;
	s8 =	sld [smem:$0x3FB0]  }
0x2e: {  	s3 =	simm.s32 @!p0 $0x1082;
	s9 =	sld [smem:$0x3FB1]  }
0x2f: {  	lr =	sadd.s32 s0, s3;
	s0 =	sld [smem:$0x3FA8]  }
0x30: {  	s3 =	sld [smem:$0x3FAB]  }
0x31: {  	[smem:$0x3FB4] =	sst s10  }
0x32: {  	s10 =	sld [smem:$0x3FB2];
	_ =	sdelay $0x3  }
0x33: {  	p0 =	seq.s32 s10, $0x1;
	s10 =	sld [smem:$0x3FB4];
	_ =	sdelay $0x3  }
0x34: {  	[smem:$0x3FB4] =	sst s10  }
0x35: {  	s10 =	sld [smem:$0x3FB3];
	_ =	sdelay $0x3  }
0x36: {  	p1 =	seq.s32 s10, $0x1;
	s10 =	sld [smem:$0x3FB4];
	_ =	sdelay $0x3  }
0x37: {  	[smem:$0x3FB4] =	sst s10  }
0x38: {  	s10 =	sld [smem:$0x3FB5]  }
0x39: {  	_ = 	snop;
	(pc) =	sbr.ind lr, $3  }
0x3a: {  	_ = 	snop  }
0x3b: {  	_ = 	snop  }
0x3c: {  	p2 =	seq.s32 s10, $0x1;
	s10 =	sld [smem:$0x3FB4]  }
0x3d: {  	_ =	shalt  }
0x3e: {  	_ =	shalt  }
0x3f: {  	_ =	shalt  }
0x40: {  	_ =	shalt  }
0x41: {  	_ =	shalt  }
0x42: {  	_ =	shalt  }
0x43: {  	_ =	shalt  }
0x44: {  	_ =	shalt  }
0x45: {  	_ =	shalt  }
0x46: {  	_ =	shalt  }
0x47: {  	_ =	shalt  }
0x48: {  	_ =	shalt  }
0x49: {  	_ =	shalt  }
0x4a: {  	_ =	shalt  }
0x4b: {  	_ =	shalt  }
0x4c: {  	_ =	shalt  }
0x4d: {  	_ =	shalt  }
0x4e: {  	_ =	shalt  }
0x4f: {  	_ =	shalt  }
0x50: {  	_ =	shalt  }
0x51: {  	_ =	shalt  }
0x52: {  	_ =	shalt  }
0x53: {  	_ =	shalt  }
0x54: {  	_ =	shalt  }
0x55: {  	_ =	shalt  }
0x56: {  	_ =	shalt  }
0x57: {  	_ =	shalt  }
0x58: {  	_ =	shalt  }
0x59: {  	_ =	shalt  }
0x5a: {  	_ =	shalt  }
0x5b: {  	_ =	shalt  }
0x5c: {  	_ =	shalt  }
0x5d: {  	_ =	shalt  }
0x5e: {  	_ =	shalt  }
0x5f: {  	_ =	shalt  }
0x60: {  	_ =	shalt  }
0x61: {  	_ =	shalt  }
0x62: {  	_ =	shalt  }
0x63: {  	_ =	shalt  }
0x64: {  	_ =	shalt  }
0x65: {  	_ =	shalt  }
0x66: {  	_ =	shalt  }
0x67: {  	_ =	shalt  }
0x68: {  	_ =	shalt  }
0x69: {  	_ =	shalt  }
0x6a: {  	_ =	shalt  }
0x6b: {  	_ =	shalt  }
0x6c: {  	_ =	shalt  }
0x6d: {  	_ =	shalt  }
0x6e: {  	_ =	shalt  }
0x6f: {  	_ =	shalt  }
0x70: {  	_ =	shalt  }
0x71: {  	_ =	shalt  }
0x72: {  	_ =	shalt  }
0x73: {  	_ =	shalt  }
0x74: {  	_ =	shalt  }
0x75: {  	_ =	shalt  }
0x76: {  	_ =	shalt  }
0x77: {  	_ =	shalt  }
0x78: {  	_ =	shalt  }
0x79: {  	_ =	shalt  }
0x7a: {  	_ =	shalt  }
0x7b: {  	_ =	shalt  }
0x7c: {  	_ =	shalt  }
0x7d: {  	_ =	shalt  }
0x7e: {  	_ =	shalt  }
0x7f: {  	_ =	shalt  }
0x80: {  	_ =	shalt  }
0x81: {  	_ =	shalt  }
0x82: {  	_ =	shalt  }
0x83: {  	_ =	shalt  }
0x84: {  	_ =	shalt  }
0x85: {  	_ =	shalt  }
0x86: {  	_ =	shalt  }
0x87: {  	_ =	shalt  }
.Lfunc_end0:
.L_simem_size_0:
called_computation_lowered:
.L_overlay_start_0:
0x88: {  	s2 =	sld [smem:$0x3FD9]  }
0x89: {  	s3 =	sld [smem:$0x3FFE];
	_ =	sdelay $0x1  }
0x8a: {  	s1 =	srdreg.scid  }
0x8b: {  	s0 =	sand.u32 $0x1, s1  }
0x8c: {  	s17 =	sshll.u32 s0, $0xA;
	s2 =	sadd.s32 s3, s2  }
0x8d: {  	s2 =	sadd.s32 s2, s17  }
0x8e: {  	[smem:$0x3FC0] =	sst s2  }
0x8f: {  	_ = 	snop  }
0x90: {  	s2 =	sld [smem:$0x3FC9];
	(tm) =	ssettm $0x1  }
0x91: {  	s18 =	sld [smem:$0x3FFB];
	_ =	sdelay $0x3  }
0x92: {  	_ =	strace s18  }
0x93: {  	s3 =	sld [smem:$0x3FFC];
	_ =	sdelay $0x3  }
0x94: {  	_ =	strace s3  }
0x95: {  	s3 =	sld [smem:$0x3FFD];
	_ =	sdelay $0x3  }
0x96: {  	_ =	strace s3  }
0x97: {  	_ =	strace $0x8FFFFFFF  }
0x98: {  	s19 =	sld [smem:$0x3FDB];
	_ =	sdelay $0x1  }
0x99: {  	s4 =	simm.s32 $_scs_section_size  }
0x9a: {  	s5 =	simm.s32 $_size__tile_overlayer_lowered;
	s6 =	simm.s32 $_tile_overlayer_lowered  }
0x9b: {  	s22 =	simm.s32 $0x1BFF;
	s21 =	sshll.u32 s6, $0x1;
	s3 =	sadd.s32 s4, s19  }
0x9c: {  	s7 =	simm.s32 $0x0;
	s20 =	sshll.u32 s5, $0x1;
	s5 =	sadd.s32 s21, s3  }
0x9d: {  	[timem:s7], [sflag:s22] =	dma.local [hbm:s5], s20  }
0x9e: {  	_ =	swait.ge [sflag:s22], s20  }
0x9f: {  	s4 =	ssub.s32 $0x0, s20;
	[sflag:s22] =	ssyncset.done $0x0  }
0xa0: {  	[sflag:s22] =	ssyncadd.s32 s4;
	_ =	sdelay $0x1  }
0xa1: {  	s23 =	simm.s32 $0x1B8B  }
0xa2: {  	_ =	swait.ge [sflag:s23], $0x1  }
0xa3: {  	[sflag:s23] =	ssyncset.done $0x0  }
0xa4: {  	s25 =	simm.s32 $0x1B8E;
	s24 =	sld [smem:$0x3FFE];
	[sflag:s23] =	ssyncadd.s32 $0xFFFFFFFF  }
0xa5: {  	s26 =	simm.s32 $execute0_lowered;
	[smem:$0x3FD2] =	sst s25  }
0xa6: {  	s5 =	sshll.u32 s26, $0x1;
	_ =	strace $0x80000046;
	[dreg:$0x1] =	wrdreg $0xFFFFFFFF  }
0xa7: {  	s28 =	simm.s32 $_size_execute0_lowered;
	s3 =	sadd.s32 s3, s5;
	[dreg:$0x0] =	wrdreg $0x0  }
0xa8: {  	s5 =	sshll.u32 s28, $0x1;
	[dreg:$0x2] =	wrdreg s3  }
0xa9: {  	[dreg:$0x3] =	wrdreg s5  }
0xaa: {  	[dreg:$0x4] =	wrdreg $0xC0  }
0xab: {  	_ =	task [dreg:s7], $0x5FFFF  }
0xac: {  	[dreg:$0x1] =	wrdreg $0xFFFFFFFF  }
0xad: {  	[dreg:$0x0] =	wrdreg $0x60  }
0xae: {  	[dreg:$0x2] =	wrdreg s2  }
0xaf: {  	[dreg:$0x3] =	wrdreg s24  }
0xb0: {  	[dreg:$0x4] =	wrdreg $0x9  }
0xb1: {  	_ =	task.clear_ibuf [dreg:s7], $0x5FFFF;
	_ =	strace $0x90000046  }
0xb2: {  	s29 =	simm.s32 $0x9;
	_ =	strace $0x80000048  }
0xb3: {  	_ =	swait.ge [sflag:s29], $0x1  }
0xb4: {  	[sflag:s29] =	ssyncadd.s32 $0xFFFFFFFF  }
0xb5: {  	_ =	strace $0x90000048  }
0xb6: {  	_ =	sfence  }
0xb7: {  	s30 =	sld [smem:$0x0];
	_ =	sdelay $0x2  }
0xb8: {  	s31 =	sshll.u32 s1, $0xD;
	s1 =	sshrl.u32 s1, $0x2  }
0xb9: {  	s3 =	sand.u32 $0x4000, s31;
	s1 =	sadd.s32 s1, s30  }
0xba: {  	s0 =	sor.u32 s3, s0;
	s1 =	sshll.u32 s1, $0x11  }
0xbb: {  	s0 =	sor.u32 s1, s0  }
0xbc: {  	s0 =	sadd.s32 $0x8F2B, s0  }
0xbd: {  	[sflag:s0] =	ssyncadd.remote.s32 $0x1  }
0xbe: {  	_ =	sfence.sel $0xFFFF  }
0xbf: {  	[dreg:$0x0] =	wrdreg $0xFFFFFFFF;
	(pc) =	sbr.abs _section_cstart, $3  }
0xc0: {  	[dreg:$0x1] =	wrdreg $0xFFFFFFFF  }
0xc1: {  	_ =	task.clear_ibuf [dreg:s7], $0x2FFFF;
	_ =	strace $0x9FFFFFFF  }
0xc2: {  	(tm) =	ssettm $0x7FFFFFFF  }
0xc3: {  	_ =	shalt  }
tec
execute0_lowered:
.L_overlay_start_1:
0x0: {  	(tag) =	ssettag $0x1  }
0x1: {  	s3 =	rddreg [dreg:$0x0]  }
0x2: {  	s5 =	rddreg [dreg:$0x1];
	s2 =	simm.s32 $0x0  }
0x3: {  	s0 =	stileid.u32;
	s25 =	simm.s32 $0x880;
	[smem:$0x7FF] =	sst s2  }
0x4: {  	s26 =	simm.s32 $0x1080;
	_ =	strace $0x80000047;
	[dreg:$0x5] =	wrdreg s25  }
0x5: {  	s4 =	sshll.u32 s0, $0x5;
	s0 =	simm.s32 $0x1880;
	[dreg:$0x6] =	wrdreg s26  }
0x6: {  	s7 =	simm.s32 $0x3080;
	[dreg:$0x7] =	wrdreg s0  }
0x7: {  	s8 =	simm.s32 $0x3880;
	[dreg:$0xa] =	wrdreg s7  }
0x8: {  	s9 =	simm.s32 $0x4080;
	[dreg:$0xb] =	wrdreg s8  }
0x9: {  	s10 =	simm.s32 $0x4880;
	[dreg:$0xc] =	wrdreg s9  }
0xa: {  	s11 =	simm.s32 $0x5080;
	[dreg:$0xd] =	wrdreg s10  }
0xb: {  	s12 =	simm.s32 $0x5880;
	[dreg:$0xe] =	wrdreg s11  }
0xc: {  	s13 =	simm.s32 $0x6080;
	[dreg:$0xf] =	wrdreg s12  }
0xd: {  	s14 =	simm.s32 $0x6880;
	[dreg:$0x10] =	wrdreg s13  }
0xe: {  	s15 =	simm.s32 $0x7080;
	[dreg:$0x11] =	wrdreg s14  }
0xf: {  	s16 =	simm.s32 $0x7880;
	[dreg:$0x12] =	wrdreg s15  }
0x10: {  	s1 =	srdreg.scid;
	s17 =	simm.s32 $0x8080;
	[dreg:$0x13] =	wrdreg s16  }
0x11: {  	s18 =	simm.s32 $0x8880;
	s19 =	simm.s32 $0x9080;
	[dreg:$0x14] =	wrdreg s17  }
0x12: {  	s21 =	simm.s32 $0x9880;
	s22 =	simm.s32 $0xA080;
	[dreg:$0x15] =	wrdreg s18  }
0x13: {  	s23 =	simm.s32 $0xA880;
	s24 =	simm.s32 $0xB880;
	[dreg:$0x16] =	wrdreg s19  }
0x14: {  	s28 =	simm.s32 $0x16080;
	s29 =	simm.s32 $0x16880;
	[dreg:$0x17] =	wrdreg s21  }
0x15: {  	s30 =	simm.s32 $0x17080;
	s1 =	sand.u32 $0x1, s1;
	[dreg:$0x18] =	wrdreg s22  }
0x16: {  	s31 =	simm.s32 $0x17880;
	s6 =	sshll.u32 s1, $0x4;
	[dreg:$0x19] =	wrdreg s23  }
0x17: {  	s1 =	ssub.s32 $0x2, s1;
	s7 =	simm.s32 $0xB080;
	[dreg:$0x1b] =	wrdreg s24  }
0x18: {  	s25 =	simm.s32 $0xC080;
	s8 =	simm.s32 $0x80;
	s26 =	simm.s32 $0xC880  }
0x19: {  	s10 =	simm.s32 $0xD880;
	s11 =	simm.s32 $0xE080;
	s12 =	simm.s32 $0xE880  }
0x1a: {  	s13 =	simm.s32 $0xF080;
	s14 =	simm.s32 $0xF880;
	s15 =	simm.s32 $0x10080  }
0x1b: {  	s16 =	simm.s32 $0x10880;
	s17 =	simm.s32 $0x11080;
	s18 =	simm.s32 $0x11880  }
0x1c: {  	s19 =	simm.s32 $0x12080;
	s21 =	simm.s32 $0x13080;
	s22 =	simm.s32 $0x13880  }
0x1d: {  	s23 =	simm.s32 $0x14080;
	s24 =	simm.s32 $0x14880;
	s4 =	sor.u32 s6, s4  }
0x1e: {  	s20 =	sshrl.u32 s1, $0x1;
	[dreg:$0x1a] =	wrdreg s7;
	s7 =	simm.s32 $0x2  }
0x1f: {  	[dreg:$0x1c] =	wrdreg s25;
	s6 =	sadd.s32 s4, s5;
	s4 =	smul.u32 $0x300, s4  }
0x20: {  	[dreg:$0x1d] =	wrdreg s26;
	s25 =	simm.s32 $0x15080;
	s6 =	sadd.s32 $0x1400, s6  }
0x21: {  	s26 =	simm.s32 $0x15880;
	[dreg:$0x3] =	wrdreg s6;
	s3 =	sadd.s32 s3, s4  }
0x22: {  	s1 =	ssub.s32 s1, s20;
	s4 =	simm.s32 $0x2080;
	[dreg:$0x4] =	wrdreg s3  }
0x23: {  	v2 =	vlaneseq.u32;
	s20 =	simm.s32 $0x12880;
	s6 =	simm.s32 $0x2880;
	[dreg:$0x8] =	wrdreg s4  }
0x24: {  	vm0 =	vmmov $0xffff;
	v1 =	vshrl.u32 v2, $0x3;
	[dreg:$0x9] =	wrdreg s6;
	s3 =	sadd.s32 $0x1600, s5;
	s4 =	sadd.s32 $0x1700, s5  }
0x25: {  	v0 =	vand.u32 $0x7, v2;
	v2 =	vor.u32 $0x8, v2;
	v1 =	vmul.u32 $0x8, v1;
	s5 =	sadd.s32 $0x1800, s5;
	s6 =	smax.u32 s1, $0x1;
	s1 =	simm.s32 $0x1  }
.LBB2_1:
0x26: {  	s0 =	rddreg [dreg:$0x3]  }
0x27: {  	[tilespmem:s2], [sflag:$0x2] =	stream.linear.gather [hbm4b:s0+s2], $0x80, $0x38;
	[tilespmem:$0x18080] =	vst v63  }
0x28: {  	_ =	swait.ge [sflag:s7], $0x80  }
0x29: {  	[sflag:s7] =	ssyncset.done $0x0  }
0x2a: {  	s9 =	rddreg [dreg:$0x4];
	[sflag:s7] =	ssyncadd.s32 $0xFFFFFF80  }
0x2b: {  	[tilespmem:s8], [sflag:$0x2] =	stream.linear.gather [hbm4b:s9+s2], $0x18000, $0x38;
	[tilespmem:$0x18080] =	vst v63  }
0x2c: {  	_ =	swait.ge [sflag:s7], $0x18000  }
0x2d: {  	[sflag:s7] =	ssyncset.done $0x0  }
0x2e: {  	[sflag:s7] =	ssyncadd.s32 $0xFFFE8000  }
0x2f: {  	v3 =	vld [tilespmem:$0x0];
	_ =	sdelay $0x4  }
0x30: {  	v4 =	vshrl.u32 v3, $0x3  }
0x31: {  	v4 =	vmul.u32 $0x30, v4  }
0x32: {  	v3 =	vand.u32 $0x7, v3  }
0x33: {  	v3 =	vor.u32 v3, v4  }
0x34: {  	v4 =	vperm.xlane v3, v0;
	_ =	sdelay $0x1  }
0x35: {  	v4 =	vadd.s32 v1, v4;
	_ =	sdelay $0x3  }
0x36: {  	v3 =	vperm.xlane v3, v2  }
0x37: {  	[hbm4b:s3+s2] =	stream.indirect_vreg.scatter [tilespmem:s8], [sflag:$0x1], $0x80, v4, vm0, $0xb8;
	[tilespmem:$0x18080] =	vst v63  }
0x38: {  	s0 =	rddreg [dreg:$0x5];
	v3 =	vadd.s32 v1, v3  }
0x39: {  	[hbm4b:s4+s2] =	stream.indirect_vreg.scatter [tilespmem:s0], [sflag:$0x1], $0x80, v4, vm0, $0xb8;
	[tilespmem:$0x18080] =	vst v63  }
0x3a: {  	s9 =	rddreg [dreg:$0x6]  }
0x3b: {  	[hbm4b:s5+s2] =	stream.indirect_vreg.scatter [tilespmem:s9], [sflag:$0x1], $0x80, v4, vm0, $0xb8;
	[tilespmem:$0x18080] =	vst v63  }
0x3c: {  	s0 =	rddreg [dreg:$0x7]  }
0x3d: {  	[hbm4b:s3+s2] =	stream.indirect_vreg.scatter [tilespmem:s0], [sflag:$0x1], $0x80, v3, vm0, $0xb8;
	[tilespmem:$0x18080] =	vst v63  }
0x3e: {  	s9 =	rddreg [dreg:$0x8]  }
0x3f: {  	[hbm4b:s4+s2] =	stream.indirect_vreg.scatter [tilespmem:s9], [sflag:$0x1], $0x80, v3, vm0, $0xb8;
	[tilespmem:$0x18080] =	vst v63  }
0x40: {  	s0 =	rddreg [dreg:$0x9]  }
0x41: {  	[hbm4b:s5+s2] =	stream.indirect_vreg.scatter [tilespmem:s0], [sflag:$0x1], $0x80, v3, vm0, $0xb8;
	[tilespmem:$0x18080] =	vst v63  }
0x42: {  	v3 =	vld [tilespmem:$0x10];
	_ =	sdelay $0x4  }
0x43: {  	v57 =	vshrl.u32 v3, $0x3  }
0x44: {  	v4 =	vmul.u32 $0x30, v57  }
0x45: {  	v3 =	vand.u32 $0x7, v3  }
0x46: {  	v3 =	vor.u32 v3, v4  }
0x47: {  	v4 =	vperm.xlane v3, v0;
	_ =	sdelay $0x1  }
0x48: {  	v4 =	vadd.s32 v1, v4;
	_ =	sdelay $0x3  }
0x49: {  	s0 =	rddreg [dreg:$0xa];
	v3 =	vperm.xlane v3, v2  }
0x4a: {  	[hbm4b:s3+s2] =	stream.indirect_vreg.scatter [tilespmem:s0], [sflag:$0x1], $0x80, v4, vm0, $0xb8;
	[tilespmem:$0x18080] =	vst v63  }
0x4b: {  	s9 =	rddreg [dreg:$0xb];
	v3 =	vadd.s32 v1, v3  }
0x4c: {  	[hbm4b:s4+s2] =	stream.indirect_vreg.scatter [tilespmem:s9], [sflag:$0x1], $0x80, v4, vm0, $0xb8;
	[tilespmem:$0x18080] =	vst v63  }
0x4d: {  	s0 =	rddreg [dreg:$0xc]  }
0x4e: {  	[hbm4b:s5+s2] =	stream.indirect_vreg.scatter [tilespmem:s0], [sflag:$0x1], $0x80, v4, vm0, $0xb8;
	[tilespmem:$0x18080] =	vst v63  }
0x4f: {  	s9 =	rddreg [dreg:$0xd]  }
0x50: {  	[hbm4b:s3+s2] =	stream.indirect_vreg.scatter [tilespmem:s9], [sflag:$0x1], $0x80, v3, vm0, $0xb8;
	[tilespmem:$0x18080] =	vst v63  }
0x51: {  	s0 =	rddreg [dreg:$0xe]  }
0x52: {  	[hbm4b:s4+s2] =	stream.indirect_vreg.scatter [tilespmem:s0], [sflag:$0x1], $0x80, v3, vm0, $0xb8;
	[tilespmem:$0x18080] =	vst v63  }
0x53: {  	s9 =	rddreg [dreg:$0xf]  }
0x54: {  	[hbm4b:s5+s2] =	stream.indirect_vreg.scatter [tilespmem:s9], [sflag:$0x1], $0x80, v3, vm0, $0xb8;
	[tilespmem:$0x18080] =	vst v63  }
0x55: {  	v3 =	vld [tilespmem:$0x20];
	_ =	sdelay $0x4  }
0x56: {  	v58 =	vshrl.u32 v3, $0x3  }
0x57: {  	v4 =	vmul.u32 $0x30, v58  }
0x58: {  	v3 =	vand.u32 $0x7, v3  }
0x59: {  	v3 =	vor.u32 v3, v4  }
0x5a: {  	v4 =	vperm.xlane v3, v0;
	_ =	sdelay $0x1  }
0x5b: {  	v4 =	vadd.s32 v1, v4;
	_ =	sdelay $0x3  }
0x5c: {  	s0 =	rddreg [dreg:$0x10];
	v3 =	vperm.xlane v3, v2  }
0x5d: {  	[hbm4b:s3+s2] =	stream.indirect_vreg.scatter [tilespmem:s0], [sflag:$0x1], $0x80, v4, vm0, $0xb8;
	[tilespmem:$0x18080] =	vst v63  }
0x5e: {  	s9 =	rddreg [dreg:$0x11];
	v3 =	vadd.s32 v1, v3  }
0x5f: {  	[hbm4b:s4+s2] =	stream.indirect_vreg.scatter [tilespmem:s9], [sflag:$0x1], $0x80, v4, vm0, $0xb8;
	[tilespmem:$0x18080] =	vst v63  }
0x60: {  	s0 =	rddreg [dreg:$0x12]  }
0x61: {  	[hbm4b:s5+s2] =	stream.indirect_vreg.scatter [tilespmem:s0], [sflag:$0x1], $0x80, v4, vm0, $0xb8;
	[tilespmem:$0x18080] =	vst v63  }
0x62: {  	s9 =	rddreg [dreg:$0x13]  }
0x63: {  	[hbm4b:s3+s2] =	stream.indirect_vreg.scatter [tilespmem:s9], [sflag:$0x1], $0x80, v3, vm0, $0xb8;
	[tilespmem:$0x18080] =	vst v63  }
0x64: {  	s0 =	rddreg [dreg:$0x14]  }
0x65: {  	[hbm4b:s4+s2] =	stream.indirect_vreg.scatter [tilespmem:s0], [sflag:$0x1], $0x80, v3, vm0, $0xb8;
	[tilespmem:$0x18080] =	vst v63  }
0x66: {  	s9 =	rddreg [dreg:$0x15]  }
0x67: {  	[hbm4b:s5+s2] =	stream.indirect_vreg.scatter [tilespmem:s9], [sflag:$0x1], $0x80, v3, vm0, $0xb8;
	[tilespmem:$0x18080] =	vst v63  }
0x68: {  	v3 =	vld [tilespmem:$0x30];
	_ =	sdelay $0x4  }
0x69: {  	v59 =	vshrl.u32 v3, $0x3  }
0x6a: {  	v4 =	vmul.u32 $0x30, v59  }
0x6b: {  	v3 =	vand.u32 $0x7, v3  }
0x6c: {  	v3 =	vor.u32 v3, v4  }
0x6d: {  	v4 =	vperm.xlane v3, v0;
	_ =	sdelay $0x1  }
0x6e: {  	v4 =	vadd.s32 v1, v4;
	_ =	sdelay $0x3  }
0x6f: {  	s0 =	rddreg [dreg:$0x16];
	v3 =	vperm.xlane v3, v2  }
0x70: {  	[hbm4b:s3+s2] =	stream.indirect_vreg.scatter [tilespmem:s0], [sflag:$0x1], $0x80, v4, vm0, $0xb8;
	[tilespmem:$0x18080] =	vst v63  }
0x71: {  	s9 =	rddreg [dreg:$0x17];
	v3 =	vadd.s32 v1, v3  }
0x72: {  	[hbm4b:s4+s2] =	stream.indirect_vreg.scatter [tilespmem:s9], [sflag:$0x1], $0x80, v4, vm0, $0xb8;
	[tilespmem:$0x18080] =	vst v63  }
0x73: {  	s0 =	rddreg [dreg:$0x18]  }
0x74: {  	[hbm4b:s5+s2] =	stream.indirect_vreg.scatter [tilespmem:s0], [sflag:$0x1], $0x80, v4, vm0, $0xb8;
	[tilespmem:$0x18080] =	vst v63  }
0x75: {  	s9 =	rddreg [dreg:$0x19]  }
0x76: {  	[hbm4b:s3+s2] =	stream.indirect_vreg.scatter [tilespmem:s9], [sflag:$0x1], $0x80, v3, vm0, $0xb8;
	[tilespmem:$0x18080] =	vst v63  }
0x77: {  	s0 =	rddreg [dreg:$0x1a]  }
0x78: {  	[hbm4b:s4+s2] =	stream.indirect_vreg.scatter [tilespmem:s0], [sflag:$0x1], $0x80, v3, vm0, $0xb8;
	[tilespmem:$0x18080] =	vst v63  }
0x79: {  	s9 =	rddreg [dreg:$0x1b]  }
0x7a: {  	[hbm4b:s5+s2] =	stream.indirect_vreg.scatter [tilespmem:s9], [sflag:$0x1], $0x80, v3, vm0, $0xb8;
	[tilespmem:$0x18080] =	vst v63  }
0x7b: {  	v3 =	vld [tilespmem:$0x40];
	_ =	sdelay $0x4  }
0x7c: {  	v60 =	vshrl.u32 v3, $0x3  }
0x7d: {  	v4 =	vmul.u32 $0x30, v60  }
0x7e: {  	v3 =	vand.u32 $0x7, v3  }
0x7f: {  	v3 =	vor.u32 v3, v4  }
0x80: {  	v4 =	vperm.xlane v3, v0;
	_ =	sdelay $0x1  }
0x81: {  	v4 =	vadd.s32 v1, v4;
	_ =	sdelay $0x3  }
0x82: {  	s0 =	rddreg [dreg:$0x1c];
	v3 =	vperm.xlane v3, v2  }
0x83: {  	[hbm4b:s3+s2] =	stream.indirect_vreg.scatter [tilespmem:s0], [sflag:$0x1], $0x80, v4, vm0, $0xb8;
	[tilespmem:$0x18080] =	vst v63  }
0x84: {  	s9 =	rddreg [dreg:$0x1d];
	v3 =	vadd.s32 v1, v3  }
0x85: {  	[hbm4b:s4+s2] =	stream.indirect_vreg.scatter [tilespmem:s9], [sflag:$0x1], $0x80, v4, vm0, $0xb8;
	[tilespmem:$0x18080] =	vst v63  }
0x86: {  	s9 =	simm.s32 $0xD080  }
0x87: {  	[hbm4b:s5+s2] =	stream.indirect_vreg.scatter [tilespmem:s9], [sflag:$0x1], $0x80, v4, vm0, $0xb8;
	[tilespmem:$0x18080] =	vst v63  }
0x88: {  	_ = 	snop  }
0x89: {  	[hbm4b:s3+s2] =	stream.indirect_vreg.scatter [tilespmem:s10], [sflag:$0x1], $0x80, v3, vm0, $0xb8;
	[tilespmem:$0x18080] =	vst v63  }
0x8a: {  	_ = 	snop  }
0x8b: {  	[hbm4b:s4+s2] =	stream.indirect_vreg.scatter [tilespmem:s11], [sflag:$0x1], $0x80, v3, vm0, $0xb8;
	[tilespmem:$0x18080] =	vst v63  }
0x8c: {  	_ = 	snop  }
0x8d: {  	[hbm4b:s5+s2] =	stream.indirect_vreg.scatter [tilespmem:s12], [sflag:$0x1], $0x80, v3, vm0, $0xb8;
	[tilespmem:$0x18080] =	vst v63  }
0x8e: {  	v3 =	vld [tilespmem:$0x50];
	_ =	sdelay $0x4  }
0x8f: {  	v61 =	vshrl.u32 v3, $0x3  }
0x90: {  	v4 =	vmul.u32 $0x30, v61  }
0x91: {  	v3 =	vand.u32 $0x7, v3  }
0x92: {  	v3 =	vor.u32 v3, v4  }
0x93: {  	v4 =	vperm.xlane v3, v0;
	_ =	sdelay $0x1  }
0x94: {  	v4 =	vadd.s32 v1, v4;
	_ =	sdelay $0x3  }
0x95: {  	v3 =	vperm.xlane v3, v2  }
0x96: {  	[hbm4b:s3+s2] =	stream.indirect_vreg.scatter [tilespmem:s13], [sflag:$0x1], $0x80, v4, vm0, $0xb8;
	[tilespmem:$0x18080] =	vst v63  }
0x97: {  	v3 =	vadd.s32 v1, v3  }
0x98: {  	[hbm4b:s4+s2] =	stream.indirect_vreg.scatter [tilespmem:s14], [sflag:$0x1], $0x80, v4, vm0, $0xb8;
	[tilespmem:$0x18080] =	vst v63  }
0x99: {  	_ = 	snop  }
0x9a: {  	[hbm4b:s5+s2] =	stream.indirect_vreg.scatter [tilespmem:s15], [sflag:$0x1], $0x80, v4, vm0, $0xb8;
	[tilespmem:$0x18080] =	vst v63  }
0x9b: {  	_ = 	snop  }
0x9c: {  	[hbm4b:s3+s2] =	stream.indirect_vreg.scatter [tilespmem:s16], [sflag:$0x1], $0x80, v3, vm0, $0xb8;
	[tilespmem:$0x18080] =	vst v63  }
0x9d: {  	_ = 	snop  }
0x9e: {  	[hbm4b:s4+s2] =	stream.indirect_vreg.scatter [tilespmem:s17], [sflag:$0x1], $0x80, v3, vm0, $0xb8;
	[tilespmem:$0x18080] =	vst v63  }
0x9f: {  	_ = 	snop  }
0xa0: {  	[hbm4b:s5+s2] =	stream.indirect_vreg.scatter [tilespmem:s18], [sflag:$0x1], $0x80, v3, vm0, $0xb8;
	[tilespmem:$0x18080] =	vst v63  }
0xa1: {  	v3 =	vld [tilespmem:$0x60];
	_ =	sdelay $0x4  }
0xa2: {  	v62 =	vshrl.u32 v3, $0x3  }
0xa3: {  	v4 =	vmul.u32 $0x30, v62  }
0xa4: {  	v3 =	vand.u32 $0x7, v3  }
0xa5: {  	v3 =	vor.u32 v3, v4  }
0xa6: {  	v4 =	vperm.xlane v3, v0;
	_ =	sdelay $0x1  }
0xa7: {  	v4 =	vadd.s32 v1, v4;
	_ =	sdelay $0x3  }
0xa8: {  	v3 =	vperm.xlane v3, v2  }
0xa9: {  	[hbm4b:s3+s2] =	stream.indirect_vreg.scatter [tilespmem:s19], [sflag:$0x1], $0x80, v4, vm0, $0xb8;
	[tilespmem:$0x18080] =	vst v63  }
0xaa: {  	v3 =	vadd.s32 v1, v3  }
0xab: {  	[hbm4b:s4+s2] =	stream.indirect_vreg.scatter [tilespmem:s20], [sflag:$0x1], $0x80, v4, vm0, $0xb8;
	[tilespmem:$0x18080] =	vst v63  }
0xac: {  	_ = 	snop  }
0xad: {  	[hbm4b:s5+s2] =	stream.indirect_vreg.scatter [tilespmem:s21], [sflag:$0x1], $0x80, v4, vm0, $0xb8;
	[tilespmem:$0x18080] =	vst v63  }
0xae: {  	_ = 	snop  }
0xaf: {  	[hbm4b:s3+s2] =	stream.indirect_vreg.scatter [tilespmem:s22], [sflag:$0x1], $0x80, v3, vm0, $0xb8;
	[tilespmem:$0x18080] =	vst v63  }
0xb0: {  	_ = 	snop  }
0xb1: {  	[hbm4b:s4+s2] =	stream.indirect_vreg.scatter [tilespmem:s23], [sflag:$0x1], $0x80, v3, vm0, $0xb8;
	[tilespmem:$0x18080] =	vst v63  }
0xb2: {  	_ = 	snop  }
0xb3: {  	[hbm4b:s5+s2] =	stream.indirect_vreg.scatter [tilespmem:s24], [sflag:$0x1], $0x80, v3, vm0, $0xb8;
	[tilespmem:$0x18080] =	vst v63  }
0xb4: {  	v3 =	vld [tilespmem:$0x70];
	_ =	sdelay $0x4  }
0xb5: {  	v63 =	vshrl.u32 v3, $0x3  }
0xb6: {  	v4 =	vmul.u32 $0x30, v63  }
0xb7: {  	v3 =	vand.u32 $0x7, v3  }
0xb8: {  	v3 =	vor.u32 v3, v4  }
0xb9: {  	v4 =	vperm.xlane v3, v0;
	_ =	sdelay $0x1  }
0xba: {  	v4 =	vadd.s32 v1, v4;
	_ =	sdelay $0x3  }
0xbb: {  	v3 =	vperm.xlane v3, v2  }
0xbc: {  	[hbm4b:s3+s2] =	stream.indirect_vreg.scatter [tilespmem:s25], [sflag:$0x1], $0x80, v4, vm0, $0xb8;
	[tilespmem:$0x18080] =	vst v63  }
0xbd: {  	v3 =	vadd.s32 v1, v3  }
0xbe: {  	[hbm4b:s4+s2] =	stream.indirect_vreg.scatter [tilespmem:s26], [sflag:$0x1], $0x80, v4, vm0, $0xb8;
	[tilespmem:$0x18080] =	vst v63  }
0xbf: {  	_ = 	snop  }
0xc0: {  	[hbm4b:s5+s2] =	stream.indirect_vreg.scatter [tilespmem:s28], [sflag:$0x1], $0x80, v4, vm0, $0xb8;
	[tilespmem:$0x18080] =	vst v63  }
0xc1: {  	_ = 	snop  }
0xc2: {  	[hbm4b:s3+s2] =	stream.indirect_vreg.scatter [tilespmem:s29], [sflag:$0x1], $0x80, v3, vm0, $0xb8;
	[tilespmem:$0x18080] =	vst v63  }
0xc3: {  	p0 =	sne.s32 s6, $0x1  }
0xc4: {  	[hbm4b:s4+s2] =	stream.indirect_vreg.scatter [tilespmem:s30], [sflag:$0x1], $0x80, v3, vm0, $0xb8;
	[tilespmem:$0x18080] =	vst v63  }
.Ltmp0:
0xc5: {  	_ = 	snop;
	(pc) =	sbr.rel @p0 .LBB2_1-.Ltmp0, $4  }
0xc6: {  	[hbm4b:s5+s2] =	stream.indirect_vreg.scatter [tilespmem:s31], [sflag:$0x1], $0x80, v3, vm0, $0xb8;
	[tilespmem:$0x18080] =	vst v63  }
0xc7: {  	_ =	swait.ge [sflag:s1], $0x18000  }
0xc8: {  	[sflag:s1] =	ssyncset.done $0x0  }
0xc9: {  	s6 =	sadd.s32 $0xFFFFFFFF, s6;
	[sflag:s1] =	ssyncadd.s32 $0xFFFE8000  }
0xca: {  	_ =	sfence.sel $0x180000  }
0xcb: {  	[bflag:$0x0] =	sbarrier.arrive $0xFFFF  }
0xcc: {  	_ =	strace $0x90000047  }
0xcd: {  	s0 =	stileid.u32;
	[bflag:$0x2] =	sbarrier.arrive $0xFFFF  }
0xce: {  	p0 =	sne.s32 s0, $0x0;
	s0 =	rddreg [dreg:$0x2]  }
0xcf: {  	s0 =	sadd.s32 @!p0 $0x100000, s0  }
0xd0: {  	[sflag:s0] =	ssyncadd.tile.s32 @!p0 $0x1;
	_ =	shalt  }
.Lfunc_end2:
_tile_overlayer_lowered:
.L_overlay_start_2:
0xd1: {  	(tag) =	ssettag $0x2  }
0xd2: {  	s0 =	rddreg [dreg:$0x0];
	s2 =	stileid.u32  }
0xd3: {  	s1 =	rddreg [dreg:$0x1];
	p0 =	sne.s32 s2, $0x0  }
0xd4: {  	s3 =	rddreg [dreg:$0x2];
	[bflag:$0x3] =	sbarrier.arrive $0xFFFF;
	s2 =	simm.s32 @!p0 $0x1C02  }
0xd5: {  	[timem:s3], [sflag:s2] =	dma.local @!p0 [hbm:s0], s1  }
0xd6: {  	s0 =	simm.s32 @!p0 $0x2  }
0xd7: {  	_ =	swait.ge @!p0 [sflag:s0], s1  }
0xd8: {  	s1 =	ssub.s32 @!p0 $0x0, s1;
	[sflag:s0] =	ssyncset.done @!p0 $0x0  }
0xd9: {  	[sflag:s0] =	ssyncadd.s32 @!p0 s1  }
0xda: {  	[bflag:$0x3] =	sbarrier.arrive $0xFFFF  }
0xdb: {  	_ =	shalt  }

// kernel: kernel.9.cloned.1.call-start
scs
__scs_entry_jumppad:
0x0: {  	(pc) =	sbr.rel $0x88, $3  }
0x1: {  	(tag) =	ssettag $0x0;
	lr =	simm.s32 $0x1  }
0x2: {  	[smem:$0x3F99] =	sst lr;
	_ =	strace $0xD0000000  }
0x3: {  	_ = 	snop  }
0x4: {  	_ = 	snop  }
0x5: {  	_ = 	snop  }
0x6: {  	_ = 	snop  }
0x7: {  	_ = 	snop  }
__scs_overlays_trampoline_lowered:
0x8: {  	[smem:$0x3FA8] =	sst s0  }
0x9: {  	[smem:$0x3FA9] =	sst s1  }
0xa: {  	[smem:$0x3FAA] =	sst s2  }
0xb: {  	[smem:$0x3FAB] =	sst s3  }
0xc: {  	[smem:$0x3FAC] =	sst s4  }
0xd: {  	[smem:$0x3FAD] =	sst s5  }
0xe: {  	[smem:$0x3FAE] =	sst s6  }
0xf: {  	[smem:$0x3FAF] =	sst s7  }
0x10: {  	[smem:$0x3FB0] =	sst s8  }
0x11: {  	[smem:$0x3FB1] =	sst s9;
	s0 =	simm.s32 @!p0 $0x0  }
0x12: {  	s1 =	sld [smem:$0x3F97];
	s0 =	simm.s32 @p0 $0x1  }
0x13: {  	[smem:$0x3FB2] =	sst s0;
	s0 =	simm.s32 @!p1 $0x0  }
0x14: {  	s2 =	sld [smem:$0x3F96];
	s0 =	simm.s32 @p1 $0x1  }
0x15: {  	[smem:$0x3FB3] =	sst s0;
	s0 =	simm.s32 @!p2 $0x0  }
0x16: {  	s3 =	sld [smem:$0x3FDB];
	s0 =	simm.s32 @p2 $0x1  }
0x17: {  	s4 =	simm.s32 $0x1BF5;
	[smem:$0x3FB5] =	sst s0  }
0x18: {  	s0 =	sld [smem:$0x3F98];
	_ =	swait.ge [sflag:s4], $0x0  }
0x19: {  	s7 =	sld [smem:$0x3F99]  }
0x1a: {  	s8 =	sadd.s32 $0xFFFFE003, lr  }
0x1b: {  	s9 =	sadd.s32 $0xFFFFFEF7, lr;
	s5 =	simm.s32 $0xFFFFFFFF;
	p2 =	slt.u32 s8, $0xFFFFF086  }
0x1c: {  	p1 =	slt.u32 s9, $0xF7A;
	s5 =	simm.s32 @!p2 $0x0  }
0x1d: {  	s5 =	simm.s32 @p1 $0x1;
	p0 =	seq.s32 s7, s2  }
0x1e: {  	s7 =	smul.u32 @!p0 $0xF7A, s2;
	p2 =	seq.s32 @!p0 s5, $0x0  }
0x1f: {  	s9 =	smul.u32 $0xF7A, s1;
	s8 =	simm.s32 @!p0 $0x1BF5;
	p2 =	por !p2, p0  }
0x20: {  	[sflag:s8] =	ssyncset.s32 @!p0 $0xFFFFF086;
	s6 =	sadd.s32 @!p0 s3, s7;
	s7 =	simm.s32 @!p0 $0x108  }
0x21: {  	s3 =	sadd.s32 s3, s9;
	s6 =	sadd.s32 @!p0 $0x88, s6;
	s7 =	simm.s32 @p2 $0x1082  }
0x22: {  	[simem:s7], [sflag:s8] =	dma.local @!p0 [hbm:s6], $0xF7A  }
0x23: {  	s9 =	sor.u32 $0xD0000000, s2;
	s6 =	simm.s32 $0x108;
	_ =	swait.ge @!p0 [sflag:s8], $0x0  }
0x24: {  	s3 =	sadd.s32 $0x88, s3;
	s6 =	simm.s32 @!p1 $0x1082;
	[sflag:s4] =	ssyncset.s32 $0xFFFFF086  }
0x25: {  	[simem:s6], [sflag:s4] =	dma.local [hbm:s3], $0xF7A  }
0x26: {  	[smem:$0x3F99] =	sst s1;
	(tag) =	ssettag s2;
	_ =	strace s9  }
0x27: {  	s1 =	sld [smem:$0x3FA9]  }
0x28: {  	s2 =	sld [smem:$0x3FAA]  }
0x29: {  	s4 =	sld [smem:$0x3FAC]  }
0x2a: {  	p0 =	seq.s32 s5, $0x0;
	s5 =	sld [smem:$0x3FAD]  }
0x2b: {  	s6 =	sld [smem:$0x3FAE]  }
0x2c: {  	s7 =	sld [smem:$0x3FAF]  }
0x2d: {  	s3 =	simm.s32 $0x108;
	s8 =	sld [smem:$0x3FB0]  }
0x2e: {  	s3 =	simm.s32 @!p0 $0x1082;
	s9 =	sld [smem:$0x3FB1]  }
0x2f: {  	lr =	sadd.s32 s0, s3;
	s0 =	sld [smem:$0x3FA8]  }
0x30: {  	s3 =	sld [smem:$0x3FAB]  }
0x31: {  	[smem:$0x3FB4] =	sst s10  }
0x32: {  	s10 =	sld [smem:$0x3FB2];
	_ =	sdelay $0x3  }
0x33: {  	p0 =	seq.s32 s10, $0x1;
	s10 =	sld [smem:$0x3FB4];
	_ =	sdelay $0x3  }
0x34: {  	[smem:$0x3FB4] =	sst s10  }
0x35: {  	s10 =	sld [smem:$0x3FB3];
	_ =	sdelay $0x3  }
0x36: {  	p1 =	seq.s32 s10, $0x1;
	s10 =	sld [smem:$0x3FB4];
	_ =	sdelay $0x3  }
0x37: {  	[smem:$0x3FB4] =	sst s10  }
0x38: {  	s10 =	sld [smem:$0x3FB5]  }
0x39: {  	_ = 	snop;
	(pc) =	sbr.ind lr, $3  }
0x3a: {  	_ = 	snop  }
0x3b: {  	_ = 	snop  }
0x3c: {  	p2 =	seq.s32 s10, $0x1;
	s10 =	sld [smem:$0x3FB4]  }
0x3d: {  	_ =	shalt  }
0x3e: {  	_ =	shalt  }
0x3f: {  	_ =	shalt  }
0x40: {  	_ =	shalt  }
0x41: {  	_ =	shalt  }
0x42: {  	_ =	shalt  }
0x43: {  	_ =	shalt  }
0x44: {  	_ =	shalt  }
0x45: {  	_ =	shalt  }
0x46: {  	_ =	shalt  }
0x47: {  	_ =	shalt  }
0x48: {  	_ =	shalt  }
0x49: {  	_ =	shalt  }
0x4a: {  	_ =	shalt  }
0x4b: {  	_ =	shalt  }
0x4c: {  	_ =	shalt  }
0x4d: {  	_ =	shalt  }
0x4e: {  	_ =	shalt  }
0x4f: {  	_ =	shalt  }
0x50: {  	_ =	shalt  }
0x51: {  	_ =	shalt  }
0x52: {  	_ =	shalt  }
0x53: {  	_ =	shalt  }
0x54: {  	_ =	shalt  }
0x55: {  	_ =	shalt  }
0x56: {  	_ =	shalt  }
0x57: {  	_ =	shalt  }
0x58: {  	_ =	shalt  }
0x59: {  	_ =	shalt  }
0x5a: {  	_ =	shalt  }
0x5b: {  	_ =	shalt  }
0x5c: {  	_ =	shalt  }
0x5d: {  	_ =	shalt  }
0x5e: {  	_ =	shalt  }
0x5f: {  	_ =	shalt  }
0x60: {  	_ =	shalt  }
0x61: {  	_ =	shalt  }
0x62: {  	_ =	shalt  }
0x63: {  	_ =	shalt  }
0x64: {  	_ =	shalt  }
0x65: {  	_ =	shalt  }
0x66: {  	_ =	shalt  }
0x67: {  	_ =	shalt  }
0x68: {  	_ =	shalt  }
0x69: {  	_ =	shalt  }
0x6a: {  	_ =	shalt  }
0x6b: {  	_ =	shalt  }
0x6c: {  	_ =	shalt  }
0x6d: {  	_ =	shalt  }
0x6e: {  	_ =	shalt  }
0x6f: {  	_ =	shalt  }
0x70: {  	_ =	shalt  }
0x71: {  	_ =	shalt  }
0x72: {  	_ =	shalt  }
0x73: {  	_ =	shalt  }
0x74: {  	_ =	shalt  }
0x75: {  	_ =	shalt  }
0x76: {  	_ =	shalt  }
0x77: {  	_ =	shalt  }
0x78: {  	_ =	shalt  }
0x79: {  	_ =	shalt  }
0x7a: {  	_ =	shalt  }
0x7b: {  	_ =	shalt  }
0x7c: {  	_ =	shalt  }
0x7d: {  	_ =	shalt  }
0x7e: {  	_ =	shalt  }
0x7f: {  	_ =	shalt  }
0x80: {  	_ =	shalt  }
0x81: {  	_ =	shalt  }
0x82: {  	_ =	shalt  }
0x83: {  	_ =	shalt  }
0x84: {  	_ =	shalt  }
0x85: {  	_ =	shalt  }
0x86: {  	_ =	shalt  }
0x87: {  	_ =	shalt  }
.Lfunc_end0:
.L_simem_size_0:
called_computation.1_lowered:
.L_overlay_start_0:
0x88: {  	s2 =	sld [smem:$0x3FD9]  }
0x89: {  	s3 =	sld [smem:$0x3FFE];
	_ =	sdelay $0x1  }
0x8a: {  	s1 =	srdreg.scid  }
0x8b: {  	s0 =	sand.u32 $0x1, s1  }
0x8c: {  	s17 =	sshll.u32 s0, $0xA;
	s2 =	sadd.s32 s3, s2  }
0x8d: {  	s2 =	sadd.s32 s2, s17  }
0x8e: {  	[smem:$0x3FC0] =	sst s2  }
0x8f: {  	_ = 	snop  }
0x90: {  	s2 =	sld [smem:$0x3FD0];
	(tm) =	ssettm $0x1  }
0x91: {  	s18 =	sld [smem:$0x3FFB];
	_ =	sdelay $0x3  }
0x92: {  	_ =	strace s18  }
0x93: {  	s3 =	sld [smem:$0x3FFC];
	_ =	sdelay $0x3  }
0x94: {  	_ =	strace s3  }
0x95: {  	s3 =	sld [smem:$0x3FFD];
	_ =	sdelay $0x3  }
0x96: {  	_ =	strace s3  }
0x97: {  	_ =	strace $0x8FFFFFFF  }
0x98: {  	s19 =	sld [smem:$0x3FDB];
	_ =	sdelay $0x1  }
0x99: {  	s4 =	simm.s32 $_scs_section_size  }
0x9a: {  	s5 =	simm.s32 $_size__tile_overlayer_lowered;
	s6 =	simm.s32 $_tile_overlayer_lowered  }
0x9b: {  	s22 =	simm.s32 $0x1BFF;
	s21 =	sshll.u32 s6, $0x1;
	s3 =	sadd.s32 s4, s19  }
0x9c: {  	s7 =	simm.s32 $0x0;
	s20 =	sshll.u32 s5, $0x1;
	s5 =	sadd.s32 s21, s3  }
0x9d: {  	[timem:s7], [sflag:s22] =	dma.local [hbm:s5], s20  }
0x9e: {  	_ =	swait.ge [sflag:s22], s20  }
0x9f: {  	s4 =	ssub.s32 $0x0, s20;
	[sflag:s22] =	ssyncset.done $0x0  }
0xa0: {  	[sflag:s22] =	ssyncadd.s32 s4;
	_ =	sdelay $0x1  }
0xa1: {  	s23 =	simm.s32 $0x1B8B  }
0xa2: {  	_ =	swait.ge [sflag:s23], $0x1  }
0xa3: {  	[sflag:s23] =	ssyncset.done $0x0  }
0xa4: {  	s25 =	simm.s32 $0x1B8E;
	s24 =	sld [smem:$0x3FFE];
	[sflag:s23] =	ssyncadd.s32 $0xFFFFFFFF  }
0xa5: {  	s26 =	simm.s32 $execute0_lowered;
	[smem:$0x3FD2] =	sst s25  }
0xa6: {  	s5 =	sshll.u32 s26, $0x1;
	_ =	strace $0x80000049;
	[dreg:$0x1] =	wrdreg $0xFFFFFFFF  }
0xa7: {  	s28 =	simm.s32 $_size_execute0_lowered;
	s3 =	sadd.s32 s3, s5;
	[dreg:$0x0] =	wrdreg $0x0  }
0xa8: {  	s5 =	sshll.u32 s28, $0x1;
	[dreg:$0x2] =	wrdreg s3  }
0xa9: {  	[dreg:$0x3] =	wrdreg s5  }
0xaa: {  	[dreg:$0x4] =	wrdreg $0xC0  }
0xab: {  	_ =	task [dreg:s7], $0x5FFFF  }
0xac: {  	[dreg:$0x1] =	wrdreg $0xFFFFFFFF  }
0xad: {  	[dreg:$0x0] =	wrdreg $0x60  }
0xae: {  	[dreg:$0x2] =	wrdreg s24  }
0xaf: {  	[dreg:$0x3] =	wrdreg s2  }
0xb0: {  	[dreg:$0x4] =	wrdreg $0x9  }
0xb1: {  	_ =	task.clear_ibuf [dreg:s7], $0x5FFFF;
	_ =	strace $0x90000049  }
0xb2: {  	s29 =	simm.s32 $0x9;
	_ =	strace $0x8000004B  }
0xb3: {  	_ =	swait.ge [sflag:s29], $0x1  }
0xb4: {  	[sflag:s29] =	ssyncadd.s32 $0xFFFFFFFF  }
0xb5: {  	_ =	strace $0x9000004B  }
0xb6: {  	_ =	sfence  }
0xb7: {  	s30 =	sld [smem:$0x0];
	_ =	sdelay $0x2  }
0xb8: {  	s31 =	sshll.u32 s1, $0xD;
	s1 =	sshrl.u32 s1, $0x2  }
0xb9: {  	s3 =	sand.u32 $0x4000, s31;
	s1 =	sadd.s32 s1, s30  }
0xba: {  	s0 =	sor.u32 s3, s0;
	s1 =	sshll.u32 s1, $0x11  }
0xbb: {  	s0 =	sor.u32 s1, s0  }
0xbc: {  	s0 =	sadd.s32 $0x8F2B, s0  }
0xbd: {  	[sflag:s0] =	ssyncadd.remote.s32 $0x1  }
0xbe: {  	_ =	sfence.sel $0xFFFF  }
0xbf: {  	[dreg:$0x0] =	wrdreg $0xFFFFFFFF;
	(pc) =	sbr.abs _section_cstart, $3  }
0xc0: {  	[dreg:$0x1] =	wrdreg $0xFFFFFFFF  }
0xc1: {  	_ =	task.clear_ibuf [dreg:s7], $0x2FFFF;
	_ =	strace $0x9FFFFFFF  }
0xc2: {  	(tm) =	ssettm $0x7FFFFFFF  }
0xc3: {  	_ =	shalt  }
tec
execute0_lowered:
.L_overlay_start_1:
0x0: {  	(tag) =	ssettag $0x1  }
0x1: {  	s2 =	srdreg.scid;
	s1 =	rddreg [dreg:$0x0]  }
0x2: {  	s3 =	rddreg [dreg:$0x1];
	s4 =	sand.u32 $0x1, s2;
	s2 =	simm.s32 $0x0  }
0x3: {  	s0 =	stileid.u32;
	s25 =	simm.s32 $0x880;
	[smem:$0x7FF] =	sst s2  }
0x4: {  	s26 =	simm.s32 $0x1080;
	_ =	strace $0x8000004A;
	[dreg:$0x5] =	wrdreg s25  }
0x5: {  	s5 =	sshll.u32 s0, $0x5;
	s0 =	simm.s32 $0x1880;
	[dreg:$0x6] =	wrdreg s26  }
0x6: {  	s7 =	simm.s32 $0x3080;
	[dreg:$0x7] =	wrdreg s0  }
0x7: {  	s8 =	simm.s32 $0x3880;
	[dreg:$0xa] =	wrdreg s7  }
0x8: {  	s9 =	simm.s32 $0x4080;
	[dreg:$0xb] =	wrdreg s8  }
0x9: {  	s10 =	simm.s32 $0x4880;
	[dreg:$0xc] =	wrdreg s9  }
0xa: {  	s11 =	simm.s32 $0x5080;
	[dreg:$0xd] =	wrdreg s10  }
0xb: {  	s12 =	simm.s32 $0x5880;
	[dreg:$0xe] =	wrdreg s11  }
0xc: {  	s13 =	simm.s32 $0x6080;
	[dreg:$0xf] =	wrdreg s12  }
0xd: {  	s14 =	simm.s32 $0x6880;
	[dreg:$0x10] =	wrdreg s13  }
0xe: {  	s15 =	simm.s32 $0x7080;
	[dreg:$0x11] =	wrdreg s14  }
0xf: {  	s16 =	simm.s32 $0x7880;
	s17 =	simm.s32 $0x8080;
	[dreg:$0x12] =	wrdreg s15  }
0x10: {  	s18 =	simm.s32 $0x8880;
	s19 =	simm.s32 $0x9080;
	[dreg:$0x13] =	wrdreg s16  }
0x11: {  	s21 =	simm.s32 $0x9880;
	s22 =	simm.s32 $0xA080;
	[dreg:$0x14] =	wrdreg s17  }
0x12: {  	s23 =	simm.s32 $0xB080;
	s24 =	simm.s32 $0xB880;
	[dreg:$0x15] =	wrdreg s18  }
0x13: {  	s28 =	simm.s32 $0x16080;
	s29 =	simm.s32 $0x16880;
	[dreg:$0x16] =	wrdreg s19  }
0x14: {  	s30 =	simm.s32 $0x17080;
	s31 =	simm.s32 $0x17880;
	[dreg:$0x17] =	wrdreg s21  }
0x15: {  	s6 =	sshll.u32 s4, $0x4;
	s4 =	ssub.s32 $0x2, s4;
	[dreg:$0x18] =	wrdreg s22  }
0x16: {  	s5 =	sor.u32 s6, s5;
	s20 =	sshrl.u32 s4, $0x1;
	[dreg:$0x1a] =	wrdreg s23  }
0x17: {  	s7 =	simm.s32 $0xA880;
	[dreg:$0x1b] =	wrdreg s24;
	s25 =	simm.s32 $0xC080  }
0x18: {  	s8 =	simm.s32 $0x80;
	s26 =	simm.s32 $0xC880;
	s10 =	simm.s32 $0xD880  }
0x19: {  	s11 =	simm.s32 $0xE080;
	s12 =	simm.s32 $0xE880;
	s13 =	simm.s32 $0xF080  }
0x1a: {  	s14 =	simm.s32 $0xF880;
	s15 =	simm.s32 $0x10080;
	s16 =	simm.s32 $0x10880  }
0x1b: {  	s17 =	simm.s32 $0x11080;
	s18 =	simm.s32 $0x11880;
	s19 =	simm.s32 $0x12080  }
0x1c: {  	s21 =	simm.s32 $0x13080;
	s22 =	simm.s32 $0x13880;
	[dreg:$0x19] =	wrdreg s7  }
0x1d: {  	s6 =	sadd.s32 s5, s1;
	s5 =	smul.u32 $0x300, s5;
	[dreg:$0x1c] =	wrdreg s25  }
0x1e: {  	s23 =	simm.s32 $0x14080;
	[dreg:$0x1d] =	wrdreg s26;
	s6 =	sadd.s32 $0x1400, s6  }
0x1f: {  	s24 =	simm.s32 $0x14880;
	[dreg:$0x3] =	wrdreg s6;
	s3 =	sadd.s32 s3, s5  }
0x20: {  	s7 =	simm.s32 $0x2;
	s5 =	simm.s32 $0x2080;
	[dreg:$0x4] =	wrdreg s3  }
0x21: {  	s25 =	simm.s32 $0x15080;
	s6 =	simm.s32 $0x2880;
	[dreg:$0x8] =	wrdreg s5  }
0x22: {  	v2 =	vlaneseq.u32;
	s26 =	simm.s32 $0x15880;
	[dreg:$0x9] =	wrdreg s6;
	s3 =	sadd.s32 $0x92800, s1  }
0x23: {  	vm0 =	vmmov $0xffff;
	v1 =	vshrl.u32 v2, $0x3;
	s6 =	ssub.s32 s4, s20;
	s4 =	sadd.s32 $0x92900, s1;
	s5 =	sadd.s32 $0x92A00, s1  }
0x24: {  	v0 =	vand.u32 $0x7, v2;
	v2 =	vor.u32 $0x8, v2;
	v1 =	vmul.u32 $0x8, v1;
	s20 =	simm.s32 $0x12880;
	s1 =	simm.s32 $0x1;
	s6 =	smax.u32 s6, $0x1  }
.LBB2_1:
0x25: {  	s0 =	rddreg [dreg:$0x3]  }
0x26: {  	[tilespmem:s2], [sflag:$0x2] =	stream.linear.gather [hbm4b:s0+s2], $0x80, $0x38;
	[tilespmem:$0x18080] =	vst v63  }
0x27: {  	_ =	swait.ge [sflag:s7], $0x80  }
0x28: {  	[sflag:s7] =	ssyncset.done $0x0  }
0x29: {  	[sflag:s7] =	ssyncadd.s32 $0xFFFFFF80  }
0x2a: {  	v3 =	vld [tilespmem:$0x0];
	_ =	sdelay $0x4  }
0x2b: {  	v4 =	vshrl.u32 v3, $0x3  }
0x2c: {  	v4 =	vmul.u32 $0x30, v4  }
0x2d: {  	v3 =	vand.u32 $0x7, v3  }
0x2e: {  	v3 =	vor.u32 v3, v4  }
0x2f: {  	v4 =	vperm.xlane v3, v0;
	_ =	sdelay $0x1  }
0x30: {  	v4 =	vadd.s32 v1, v4;
	_ =	sdelay $0x3  }
0x31: {  	v3 =	vperm.xlane v3, v2  }
0x32: {  	[tilespmem:s8], [sflag:$0x1] =	stream.indirect_vreg.gather [hbm4b:s3+s2], $0x80, v4, vm0, $0xb8;
	[tilespmem:$0x18080] =	vst v63  }
0x33: {  	s0 =	rddreg [dreg:$0x5];
	v3 =	vadd.s32 v1, v3  }
0x34: {  	[tilespmem:s0], [sflag:$0x1] =	stream.indirect_vreg.gather [hbm4b:s4+s2], $0x80, v4, vm0, $0xb8;
	[tilespmem:$0x18080] =	vst v63  }
0x35: {  	s9 =	rddreg [dreg:$0x6]  }
0x36: {  	[tilespmem:s9], [sflag:$0x1] =	stream.indirect_vreg.gather [hbm4b:s5+s2], $0x80, v4, vm0, $0xb8;
	[tilespmem:$0x18080] =	vst v63  }
0x37: {  	s0 =	rddreg [dreg:$0x7]  }
0x38: {  	[tilespmem:s0], [sflag:$0x1] =	stream.indirect_vreg.gather [hbm4b:s3+s2], $0x80, v3, vm0, $0xb8;
	[tilespmem:$0x18080] =	vst v63  }
0x39: {  	s9 =	rddreg [dreg:$0x8]  }
0x3a: {  	[tilespmem:s9], [sflag:$0x1] =	stream.indirect_vreg.gather [hbm4b:s4+s2], $0x80, v3, vm0, $0xb8;
	[tilespmem:$0x18080] =	vst v63  }
0x3b: {  	s0 =	rddreg [dreg:$0x9]  }
0x3c: {  	[tilespmem:s0], [sflag:$0x1] =	stream.indirect_vreg.gather [hbm4b:s5+s2], $0x80, v3, vm0, $0xb8;
	[tilespmem:$0x18080] =	vst v63  }
0x3d: {  	v3 =	vld [tilespmem:$0x10];
	_ =	sdelay $0x4  }
0x3e: {  	v57 =	vshrl.u32 v3, $0x3  }
0x3f: {  	v4 =	vmul.u32 $0x30, v57  }
0x40: {  	v3 =	vand.u32 $0x7, v3  }
0x41: {  	v3 =	vor.u32 v3, v4  }
0x42: {  	v4 =	vperm.xlane v3, v0;
	_ =	sdelay $0x1  }
0x43: {  	v4 =	vadd.s32 v1, v4;
	_ =	sdelay $0x3  }
0x44: {  	s0 =	rddreg [dreg:$0xa];
	v3 =	vperm.xlane v3, v2  }
0x45: {  	[tilespmem:s0], [sflag:$0x1] =	stream.indirect_vreg.gather [hbm4b:s3+s2], $0x80, v4, vm0, $0xb8;
	[tilespmem:$0x18080] =	vst v63  }
0x46: {  	s9 =	rddreg [dreg:$0xb];
	v3 =	vadd.s32 v1, v3  }
0x47: {  	[tilespmem:s9], [sflag:$0x1] =	stream.indirect_vreg.gather [hbm4b:s4+s2], $0x80, v4, vm0, $0xb8;
	[tilespmem:$0x18080] =	vst v63  }
0x48: {  	s0 =	rddreg [dreg:$0xc]  }
0x49: {  	[tilespmem:s0], [sflag:$0x1] =	stream.indirect_vreg.gather [hbm4b:s5+s2], $0x80, v4, vm0, $0xb8;
	[tilespmem:$0x18080] =	vst v63  }
0x4a: {  	s9 =	rddreg [dreg:$0xd]  }
0x4b: {  	[tilespmem:s9], [sflag:$0x1] =	stream.indirect_vreg.gather [hbm4b:s3+s2], $0x80, v3, vm0, $0xb8;
	[tilespmem:$0x18080] =	vst v63  }
0x4c: {  	s0 =	rddreg [dreg:$0xe]  }
0x4d: {  	[tilespmem:s0], [sflag:$0x1] =	stream.indirect_vreg.gather [hbm4b:s4+s2], $0x80, v3, vm0, $0xb8;
	[tilespmem:$0x18080] =	vst v63  }
0x4e: {  	s9 =	rddreg [dreg:$0xf]  }
0x4f: {  	[tilespmem:s9], [sflag:$0x1] =	stream.indirect_vreg.gather [hbm4b:s5+s2], $0x80, v3, vm0, $0xb8;
	[tilespmem:$0x18080] =	vst v63  }
0x50: {  	v3 =	vld [tilespmem:$0x20];
	_ =	sdelay $0x4  }
0x51: {  	v58 =	vshrl.u32 v3, $0x3  }
0x52: {  	v4 =	vmul.u32 $0x30, v58  }
0x53: {  	v3 =	vand.u32 $0x7, v3  }
0x54: {  	v3 =	vor.u32 v3, v4  }
0x55: {  	v4 =	vperm.xlane v3, v0;
	_ =	sdelay $0x1  }
0x56: {  	v4 =	vadd.s32 v1, v4;
	_ =	sdelay $0x3  }
0x57: {  	s0 =	rddreg [dreg:$0x10];
	v3 =	vperm.xlane v3, v2  }
0x58: {  	[tilespmem:s0], [sflag:$0x1] =	stream.indirect_vreg.gather [hbm4b:s3+s2], $0x80, v4, vm0, $0xb8;
	[tilespmem:$0x18080] =	vst v63  }
0x59: {  	s9 =	rddreg [dreg:$0x11];
	v3 =	vadd.s32 v1, v3  }
0x5a: {  	[tilespmem:s9], [sflag:$0x1] =	stream.indirect_vreg.gather [hbm4b:s4+s2], $0x80, v4, vm0, $0xb8;
	[tilespmem:$0x18080] =	vst v63  }
0x5b: {  	s0 =	rddreg [dreg:$0x12]  }
0x5c: {  	[tilespmem:s0], [sflag:$0x1] =	stream.indirect_vreg.gather [hbm4b:s5+s2], $0x80, v4, vm0, $0xb8;
	[tilespmem:$0x18080] =	vst v63  }
0x5d: {  	s9 =	rddreg [dreg:$0x13]  }
0x5e: {  	[tilespmem:s9], [sflag:$0x1] =	stream.indirect_vreg.gather [hbm4b:s3+s2], $0x80, v3, vm0, $0xb8;
	[tilespmem:$0x18080] =	vst v63  }
0x5f: {  	s0 =	rddreg [dreg:$0x14]  }
0x60: {  	[tilespmem:s0], [sflag:$0x1] =	stream.indirect_vreg.gather [hbm4b:s4+s2], $0x80, v3, vm0, $0xb8;
	[tilespmem:$0x18080] =	vst v63  }
0x61: {  	s9 =	rddreg [dreg:$0x15]  }
0x62: {  	[tilespmem:s9], [sflag:$0x1] =	stream.indirect_vreg.gather [hbm4b:s5+s2], $0x80, v3, vm0, $0xb8;
	[tilespmem:$0x18080] =	vst v63  }
0x63: {  	v3 =	vld [tilespmem:$0x30];
	_ =	sdelay $0x4  }
0x64: {  	v59 =	vshrl.u32 v3, $0x3  }
0x65: {  	v4 =	vmul.u32 $0x30, v59  }
0x66: {  	v3 =	vand.u32 $0x7, v3  }
0x67: {  	v3 =	vor.u32 v3, v4  }
0x68: {  	v4 =	vperm.xlane v3, v0;
	_ =	sdelay $0x1  }
0x69: {  	v4 =	vadd.s32 v1, v4;
	_ =	sdelay $0x3  }
0x6a: {  	s0 =	rddreg [dreg:$0x16];
	v3 =	vperm.xlane v3, v2  }
0x6b: {  	[tilespmem:s0], [sflag:$0x1] =	stream.indirect_vreg.gather [hbm4b:s3+s2], $0x80, v4, vm0, $0xb8;
	[tilespmem:$0x18080] =	vst v63  }
0x6c: {  	s9 =	rddreg [dreg:$0x17];
	v3 =	vadd.s32 v1, v3  }
0x6d: {  	[tilespmem:s9], [sflag:$0x1] =	stream.indirect_vreg.gather [hbm4b:s4+s2], $0x80, v4, vm0, $0xb8;
	[tilespmem:$0x18080] =	vst v63  }
0x6e: {  	s0 =	rddreg [dreg:$0x18]  }
0x6f: {  	[tilespmem:s0], [sflag:$0x1] =	stream.indirect_vreg.gather [hbm4b:s5+s2], $0x80, v4, vm0, $0xb8;
	[tilespmem:$0x18080] =	vst v63  }
0x70: {  	s9 =	rddreg [dreg:$0x19]  }
0x71: {  	[tilespmem:s9], [sflag:$0x1] =	stream.indirect_vreg.gather [hbm4b:s3+s2], $0x80, v3, vm0, $0xb8;
	[tilespmem:$0x18080] =	vst v63  }
0x72: {  	s0 =	rddreg [dreg:$0x1a]  }
0x73: {  	[tilespmem:s0], [sflag:$0x1] =	stream.indirect_vreg.gather [hbm4b:s4+s2], $0x80, v3, vm0, $0xb8;
	[tilespmem:$0x18080] =	vst v63  }
0x74: {  	s9 =	rddreg [dreg:$0x1b]  }
0x75: {  	[tilespmem:s9], [sflag:$0x1] =	stream.indirect_vreg.gather [hbm4b:s5+s2], $0x80, v3, vm0, $0xb8;
	[tilespmem:$0x18080] =	vst v63  }
0x76: {  	v3 =	vld [tilespmem:$0x40];
	_ =	sdelay $0x4  }
0x77: {  	v60 =	vshrl.u32 v3, $0x3  }
0x78: {  	v4 =	vmul.u32 $0x30, v60  }
0x79: {  	v3 =	vand.u32 $0x7, v3  }
0x7a: {  	v3 =	vor.u32 v3, v4  }
0x7b: {  	v4 =	vperm.xlane v3, v0;
	_ =	sdelay $0x1  }
0x7c: {  	v4 =	vadd.s32 v1, v4;
	_ =	sdelay $0x3  }
0x7d: {  	s0 =	rddreg [dreg:$0x1c];
	v3 =	vperm.xlane v3, v2  }
0x7e: {  	[tilespmem:s0], [sflag:$0x1] =	stream.indirect_vreg.gather [hbm4b:s3+s2], $0x80, v4, vm0, $0xb8;
	[tilespmem:$0x18080] =	vst v63  }
0x7f: {  	s9 =	rddreg [dreg:$0x1d];
	v3 =	vadd.s32 v1, v3  }
0x80: {  	[tilespmem:s9], [sflag:$0x1] =	stream.indirect_vreg.gather [hbm4b:s4+s2], $0x80, v4, vm0, $0xb8;
	[tilespmem:$0x18080] =	vst v63  }
0x81: {  	s9 =	simm.s32 $0xD080  }
0x82: {  	[tilespmem:s9], [sflag:$0x1] =	stream.indirect_vreg.gather [hbm4b:s5+s2], $0x80, v4, vm0, $0xb8;
	[tilespmem:$0x18080] =	vst v63  }
0x83: {  	_ = 	snop  }
0x84: {  	[tilespmem:s10], [sflag:$0x1] =	stream.indirect_vreg.gather [hbm4b:s3+s2], $0x80, v3, vm0, $0xb8;
	[tilespmem:$0x18080] =	vst v63  }
0x85: {  	_ = 	snop  }
0x86: {  	[tilespmem:s11], [sflag:$0x1] =	stream.indirect_vreg.gather [hbm4b:s4+s2], $0x80, v3, vm0, $0xb8;
	[tilespmem:$0x18080] =	vst v63  }
0x87: {  	_ = 	snop  }
0x88: {  	[tilespmem:s12], [sflag:$0x1] =	stream.indirect_vreg.gather [hbm4b:s5+s2], $0x80, v3, vm0, $0xb8;
	[tilespmem:$0x18080] =	vst v63  }
0x89: {  	v3 =	vld [tilespmem:$0x50];
	_ =	sdelay $0x4  }
0x8a: {  	v61 =	vshrl.u32 v3, $0x3  }
0x8b: {  	v4 =	vmul.u32 $0x30, v61  }
0x8c: {  	v3 =	vand.u32 $0x7, v3  }
0x8d: {  	v3 =	vor.u32 v3, v4  }
0x8e: {  	v4 =	vperm.xlane v3, v0;
	_ =	sdelay $0x1  }
0x8f: {  	v4 =	vadd.s32 v1, v4;
	_ =	sdelay $0x3  }
0x90: {  	v3 =	vperm.xlane v3, v2  }
0x91: {  	[tilespmem:s13], [sflag:$0x1] =	stream.indirect_vreg.gather [hbm4b:s3+s2], $0x80, v4, vm0, $0xb8;
	[tilespmem:$0x18080] =	vst v63  }
0x92: {  	v3 =	vadd.s32 v1, v3  }
0x93: {  	[tilespmem:s14], [sflag:$0x1] =	stream.indirect_vreg.gather [hbm4b:s4+s2], $0x80, v4, vm0, $0xb8;
	[tilespmem:$0x18080] =	vst v63  }
0x94: {  	_ = 	snop  }
0x95: {  	[tilespmem:s15], [sflag:$0x1] =	stream.indirect_vreg.gather [hbm4b:s5+s2], $0x80, v4, vm0, $0xb8;
	[tilespmem:$0x18080] =	vst v63  }
0x96: {  	_ = 	snop  }
0x97: {  	[tilespmem:s16], [sflag:$0x1] =	stream.indirect_vreg.gather [hbm4b:s3+s2], $0x80, v3, vm0, $0xb8;
	[tilespmem:$0x18080] =	vst v63  }
0x98: {  	_ = 	snop  }
0x99: {  	[tilespmem:s17], [sflag:$0x1] =	stream.indirect_vreg.gather [hbm4b:s4+s2], $0x80, v3, vm0, $0xb8;
	[tilespmem:$0x18080] =	vst v63  }
0x9a: {  	_ = 	snop  }
0x9b: {  	[tilespmem:s18], [sflag:$0x1] =	stream.indirect_vreg.gather [hbm4b:s5+s2], $0x80, v3, vm0, $0xb8;
	[tilespmem:$0x18080] =	vst v63  }
0x9c: {  	v3 =	vld [tilespmem:$0x60];
	_ =	sdelay $0x4  }
0x9d: {  	v62 =	vshrl.u32 v3, $0x3  }
0x9e: {  	v4 =	vmul.u32 $0x30, v62  }
0x9f: {  	v3 =	vand.u32 $0x7, v3  }
0xa0: {  	v3 =	vor.u32 v3, v4  }
0xa1: {  	v4 =	vperm.xlane v3, v0;
	_ =	sdelay $0x1  }
0xa2: {  	v4 =	vadd.s32 v1, v4;
	_ =	sdelay $0x3  }
0xa3: {  	v3 =	vperm.xlane v3, v2  }
0xa4: {  	[tilespmem:s19], [sflag:$0x1] =	stream.indirect_vreg.gather [hbm4b:s3+s2], $0x80, v4, vm0, $0xb8;
	[tilespmem:$0x18080] =	vst v63  }
0xa5: {  	v3 =	vadd.s32 v1, v3  }
0xa6: {  	[tilespmem:s20], [sflag:$0x1] =	stream.indirect_vreg.gather [hbm4b:s4+s2], $0x80, v4, vm0, $0xb8;
	[tilespmem:$0x18080] =	vst v63  }
0xa7: {  	_ = 	snop  }
0xa8: {  	[tilespmem:s21], [sflag:$0x1] =	stream.indirect_vreg.gather [hbm4b:s5+s2], $0x80, v4, vm0, $0xb8;
	[tilespmem:$0x18080] =	vst v63  }
0xa9: {  	_ = 	snop  }
0xaa: {  	[tilespmem:s22], [sflag:$0x1] =	stream.indirect_vreg.gather [hbm4b:s3+s2], $0x80, v3, vm0, $0xb8;
	[tilespmem:$0x18080] =	vst v63  }
0xab: {  	_ = 	snop  }
0xac: {  	[tilespmem:s23], [sflag:$0x1] =	stream.indirect_vreg.gather [hbm4b:s4+s2], $0x80, v3, vm0, $0xb8;
	[tilespmem:$0x18080] =	vst v63  }
0xad: {  	_ = 	snop  }
0xae: {  	[tilespmem:s24], [sflag:$0x1] =	stream.indirect_vreg.gather [hbm4b:s5+s2], $0x80, v3, vm0, $0xb8;
	[tilespmem:$0x18080] =	vst v63  }
0xaf: {  	v3 =	vld [tilespmem:$0x70];
	_ =	sdelay $0x4  }
0xb0: {  	v63 =	vshrl.u32 v3, $0x3  }
0xb1: {  	v4 =	vmul.u32 $0x30, v63  }
0xb2: {  	v3 =	vand.u32 $0x7, v3  }
0xb3: {  	v3 =	vor.u32 v3, v4  }
0xb4: {  	v4 =	vperm.xlane v3, v0;
	_ =	sdelay $0x1  }
0xb5: {  	v4 =	vadd.s32 v1, v4;
	_ =	sdelay $0x3  }
0xb6: {  	v3 =	vperm.xlane v3, v2  }
0xb7: {  	[tilespmem:s25], [sflag:$0x1] =	stream.indirect_vreg.gather [hbm4b:s3+s2], $0x80, v4, vm0, $0xb8;
	[tilespmem:$0x18080] =	vst v63  }
0xb8: {  	v3 =	vadd.s32 v1, v3  }
0xb9: {  	[tilespmem:s26], [sflag:$0x1] =	stream.indirect_vreg.gather [hbm4b:s4+s2], $0x80, v4, vm0, $0xb8;
	[tilespmem:$0x18080] =	vst v63  }
0xba: {  	_ = 	snop  }
0xbb: {  	[tilespmem:s28], [sflag:$0x1] =	stream.indirect_vreg.gather [hbm4b:s5+s2], $0x80, v4, vm0, $0xb8;
	[tilespmem:$0x18080] =	vst v63  }
0xbc: {  	_ = 	snop  }
0xbd: {  	[tilespmem:s29], [sflag:$0x1] =	stream.indirect_vreg.gather [hbm4b:s3+s2], $0x80, v3, vm0, $0xb8;
	[tilespmem:$0x18080] =	vst v63  }
0xbe: {  	_ = 	snop  }
0xbf: {  	[tilespmem:s30], [sflag:$0x1] =	stream.indirect_vreg.gather [hbm4b:s4+s2], $0x80, v3, vm0, $0xb8;
	[tilespmem:$0x18080] =	vst v63  }
0xc0: {  	_ = 	snop  }
0xc1: {  	[tilespmem:s31], [sflag:$0x1] =	stream.indirect_vreg.gather [hbm4b:s5+s2], $0x80, v3, vm0, $0xb8;
	[tilespmem:$0x18080] =	vst v63  }
0xc2: {  	_ =	swait.ge [sflag:s1], $0x18000  }
0xc3: {  	p0 =	sne.s32 s6, $0x1;
	[sflag:s1] =	ssyncset.done $0x0  }
.Ltmp0:
0xc4: {  	s9 =	rddreg [dreg:$0x4];
	[sflag:s1] =	ssyncadd.s32 $0xFFFE8000;
	(pc) =	sbr.rel @p0 .LBB2_1-.Ltmp0, $4  }
0xc5: {  	[hbm4b:s9+s2] =	stream.linear.scatter [tilespmem:s8], [sflag:$0x2], $0x18000, $0x38;
	[tilespmem:$0x18080] =	vst v63  }
0xc6: {  	_ =	swait.ge [sflag:s7], $0x18000  }
0xc7: {  	[sflag:s7] =	ssyncset.done $0x0  }
0xc8: {  	s6 =	sadd.s32 $0xFFFFFFFF, s6;
	[sflag:s7] =	ssyncadd.s32 $0xFFFE8000  }
0xc9: {  	_ =	sfence.sel $0x180000  }
0xca: {  	[bflag:$0x0] =	sbarrier.arrive $0xFFFF  }
0xcb: {  	_ =	strace $0x9000004A  }
0xcc: {  	s0 =	stileid.u32;
	[bflag:$0x2] =	sbarrier.arrive $0xFFFF  }
0xcd: {  	p0 =	sne.s32 s0, $0x0;
	s0 =	rddreg [dreg:$0x2]  }
0xce: {  	s0 =	sadd.s32 @!p0 $0x100000, s0  }
0xcf: {  	[sflag:s0] =	ssyncadd.tile.s32 @!p0 $0x1;
	_ =	shalt  }
.Lfunc_end2:
_tile_overlayer_lowered:
.L_overlay_start_2:
0xd0: {  	(tag) =	ssettag $0x2  }
0xd1: {  	s0 =	rddreg [dreg:$0x0];
	s2 =	stileid.u32  }
0xd2: {  	s1 =	rddreg [dreg:$0x1];
	p0 =	sne.s32 s2, $0x0  }
0xd3: {  	s3 =	rddreg [dreg:$0x2];
	[bflag:$0x3] =	sbarrier.arrive $0xFFFF;
	s2 =	simm.s32 @!p0 $0x1C02  }
0xd4: {  	[timem:s3], [sflag:s2] =	dma.local @!p0 [hbm:s0], s1  }
0xd5: {  	s0 =	simm.s32 @!p0 $0x2  }
0xd6: {  	_ =	swait.ge @!p0 [sflag:s0], s1  }
0xd7: {  	s1 =	ssub.s32 @!p0 $0x0, s1;
	[sflag:s0] =	ssyncset.done @!p0 $0x0  }
0xd8: {  	[sflag:s0] =	ssyncadd.s32 @!p0 s1  }
0xd9: {  	[bflag:$0x3] =	sbarrier.arrive $0xFFFF  }
0xda: {  	_ =	shalt  }

</sc_bundles>
